<compile_context>
chip_gen: v7x
topology: tpu7x:2x2x1
jax: 0.10.2.dev20260603
libtpu: 0.0.44.dev20260713+nightly
codegen_flags: <defaults>
</compile_context>

<pallas_src>
import functools

import jax
import jax.numpy as jnp
from jax.experimental import pallas as pl
from jax.experimental.pallas import tpu as pltpu
from jax.experimental.pallas import tpu_sc as plsc

D = 75
DP = 128
KNN = 14
QBLK = 128


def _prep_body(k_ref, kT_ref, kn_ref, kTn_ref, k2_ref):
    KTOT = k_ref.shape[0]

    k = (k_ref[...] - 0.5) * 2.0
    lane = jax.lax.broadcasted_iota(jnp.int32, (KTOT, DP), 1)
    kmean = jnp.sum(k, axis=1, keepdims=True) / float(D)
    kn_ref[...] = jnp.where(lane < D, k - kmean, 0.0)

    kT = (kT_ref[...] - 0.5) * 2.0
    sub = jax.lax.broadcasted_iota(jnp.int32, (DP, KTOT), 0)
    kmeanT = jnp.sum(kT, axis=0, keepdims=True) / float(D)
    kTn = jnp.where(sub < D, kT - kmeanT, 0.0)
    k2 = jnp.sum(kTn * kTn, axis=0, keepdims=True)
    kTn_ref[...] = kTn.astype(jnp.bfloat16)
    k2_ref[...] = jnp.broadcast_to(k2, (8, KTOT))


def _run_prep(kp, kTp):
    K = kp.shape[0]
    return pl.pallas_call(
        _prep_body,
        in_specs=[
            pl.BlockSpec((K, DP), lambda: (0, 0)),
            pl.BlockSpec((DP, K), lambda: (0, 0)),
        ],
        out_specs=[
            pl.BlockSpec((K, DP), lambda: (0, 0)),
            pl.BlockSpec((DP, K), lambda: (0, 0)),
            pl.BlockSpec((8, K), lambda: (0, 0)),
        ],
        out_shape=[
            jax.ShapeDtypeStruct((K, DP), jnp.float32),
            jax.ShapeDtypeStruct((DP, K), jnp.bfloat16),
            jax.ShapeDtypeStruct((8, K), jnp.float32),
        ],
    )(kp, kTp)


def _main_body(q_ref, kTn_ref, k2_ref, ind_ref, w_ref):
    f32 = jnp.float32

    q = (q_ref[...] - 0.5) * 2.0
    lane_q = jax.lax.broadcasted_iota(jnp.int32, (QBLK, DP), 1)
    qmean = jnp.sum(q, axis=1, keepdims=True) / float(D)
    qn = jnp.where(lane_q < D, q - qmean, 0.0)
    q2 = jnp.sum(qn * qn, axis=1, keepdims=True)

    kTn = kTn_ref[...]
    KTOT = kTn.shape[1]
    k2 = k2_ref[0:1, :]

    t = jax.lax.dot_general(qn.astype(jnp.bfloat16), kTn,
                            (((1,), (0,)), ((), ())),
                            preferred_element_type=f32)
    nd = -((q2 + k2) - 2.0 * t)

    lane_out = jax.lax.broadcasted_iota(jnp.int32, (QBLK, DP), 1)

    HQ = KTOT // 4
    lane4 = jax.lax.broadcasted_iota(jnp.int32, (QBLK, HQ), 1)
    v0 = nd[:, :HQ]
    v1 = nd[:, HQ : 2 * HQ]
    v2 = nd[:, 2 * HQ : 3 * HQ]
    v3 = nd[:, 3 * HQ :]
    i0 = lane4
    i1 = lane4 + HQ
    i2 = lane4 + 2 * HQ
    i3 = lane4 + 3 * HQ

    gA = v0 >= v2
    Va, Ia = jnp.where(gA, v0, v2), jnp.where(gA, i0, i2)
    La, Ja = jnp.where(gA, v2, v0), jnp.where(gA, i2, i0)
    gB = v1 >= v3
    Vb, Ib = jnp.where(gB, v1, v3), jnp.where(gB, i1, i3)
    Lb, Jb = jnp.where(gB, v3, v1), jnp.where(gB, i3, i1)

    def _lexge(va, ia, vb, ib):
        return (va > vb) | ((va == vb) & (ia < ib))

    c1 = _lexge(Va, Ia, Vb, Ib)
    V1, I1 = jnp.where(c1, Va, Vb), jnp.where(c1, Ia, Ib)
    Xv, Xi = jnp.where(c1, Vb, Va), jnp.where(c1, Ib, Ia)
    c2 = _lexge(La, Ja, Lb, Jb)
    V4, I4 = jnp.where(c2, Lb, La), jnp.where(c2, Jb, Ja)
    Yv, Yi = jnp.where(c2, La, Lb), jnp.where(c2, Ja, Jb)
    c3 = _lexge(Xv, Xi, Yv, Yi)
    V2, I2 = jnp.where(c3, Xv, Yv), jnp.where(c3, Xi, Yi)
    V3, I3 = jnp.where(c3, Yv, Xv), jnp.where(c3, Yi, Xi)

    inds = jnp.zeros((QBLK, DP), jnp.int32)
    w = jnp.zeros((QBLK, DP), f32)
    wsum = jnp.zeros((QBLK, 1), f32)
    m0 = None
    for j in range(KNN):
        m = jnp.max(V1, axis=1, keepdims=True)
        idx = jnp.min(jnp.where(V1 == m, I1, KTOT),
                      axis=1, keepdims=True)
        if j == 0:
            m0 = m
            e = jnp.ones((QBLK, 1), f32)
        else:
            e = jnp.exp(m - m0)
        inds = jnp.where(lane_out == j, idx, inds)
        w = jnp.where(lane_out == j, e, w)
        wsum = wsum + e
        hit = I1 == idx
        V1 = jnp.where(hit, V2, V1)
        I1 = jnp.where(hit, I2, I1)
        V2 = jnp.where(hit, V3, V2)
        I2 = jnp.where(hit, I3, I2)
        V3 = jnp.where(hit, V4, V3)
        I3 = jnp.where(hit, I4, I3)
        V4 = jnp.where(hit, -jnp.inf, V4)

    ind_ref[...] = inds
    w_ref[...] = w / wsum


def _run_main(qp, kTn, k2b):
    Q = qp.shape[0]
    K = kTn.shape[1]
    return pl.pallas_call(
        _main_body,
        grid=(Q // QBLK,),
        in_specs=[
            pl.BlockSpec((QBLK, DP), lambda i: (i, 0)),
            pl.BlockSpec((DP, K), lambda i: (0, 0)),
            pl.BlockSpec((8, K), lambda i: (0, 0)),
        ],
        out_specs=[
            pl.BlockSpec((QBLK, DP), lambda i: (i, 0)),
            pl.BlockSpec((QBLK, DP), lambda i: (i, 0)),
        ],
        out_shape=[
            jax.ShapeDtypeStruct((Q, DP), jnp.int32),
            jax.ShapeDtypeStruct((Q, DP), jnp.float32),
        ],
    )(qp, kTn, k2b)


GWIN = 128


def _run_sc_gather(kn, idx_flat):
    B = idx_flat.shape[0]
    idx2 = idx_flat.reshape(1, B)
    mesh = plsc.VectorSubcoreMesh(core_axis_name="c", subcore_axis_name="s")

    @functools.partial(
        pl.kernel,
        out_type=jax.ShapeDtypeStruct((B, DP), jnp.float32),
        mesh=mesh,
    )
    def _sc_kernel(kn_hbm, idx_hbm, out_hbm):
        def body(i_vmem, o_vmem):
            pltpu.sync_copy(kn_hbm.at[i_vmem.at[0]], o_vmem)

        pltpu.emit_pipeline(
            body,
            grid=(B // GWIN,),
            in_specs=[pl.BlockSpec((1, GWIN), index_map=lambda i: (0, i))],
            out_specs=[pl.BlockSpec((GWIN, DP), index_map=lambda i: (i, 0))],
            core_axis_name=("c", "s"),
            dimension_semantics=(pltpu.PARALLEL,),
        )(idx_hbm, out_hbm)

    return _sc_kernel(kn, idx2)


def _reduce_body(nbr_ref, w_ref, agg_ref):
    acc = nbr_ref[0] * w_ref[:, 0:1]
    for j in range(1, KNN):
        acc = acc + nbr_ref[j] * w_ref[:, j : j + 1]
    agg_ref[...] = acc


def _run_reduce(nbr_slabs, w):
    Q = w.shape[0]
    return pl.pallas_call(
        _reduce_body,
        grid=(Q // QBLK,),
        in_specs=[
            pl.BlockSpec((KNN, QBLK, DP), lambda i: (0, i, 0)),
            pl.BlockSpec((QBLK, DP), lambda i: (i, 0)),
        ],
        out_specs=pl.BlockSpec((QBLK, DP), lambda i: (i, 0)),
        out_shape=jax.ShapeDtypeStruct((Q, DP), jnp.float32),
    )(nbr_slabs, w)


def kernel(queries, keys):
    Q = queries.shape[0]
    K = keys.shape[0]
    qp = jnp.pad(queries, ((0, 0), (0, DP - D)), constant_values=0.5)
    kp = jnp.pad(keys, ((0, 0), (0, DP - D)), constant_values=0.5)
    kTp = jnp.pad(keys.T, ((0, DP - D), (0, 0)), constant_values=0.5)

    kn, kTn, k2b = _run_prep(kp, kTp)
    inds_pad, w_pad = _run_main(qp, kTn, k2b)
    inds = inds_pad[:, :KNN]

    idx_flat = inds.T.reshape(KNN * Q)
    nbr = _run_sc_gather(kn, idx_flat)
    nbr_slabs = nbr.reshape(KNN, Q, DP)

    agg = _run_reduce(nbr_slabs, w_pad)
    return agg[:, :D], inds

# --- scband reference (transcript-rebuilt; emitter-appended) ---
"""Pipeline reference for scband-batched-lidia-64862596104465 (READ-ONLY COPY).

The authoritative reference and input builder live on the scoring server;
editing this copy changes nothing except your own understanding.
"""

import jax, jax.numpy as jnp
import numpy as np

K_NN = 14  # hardcoded self.k = 14 in BatchedLIDIA

def setup_inputs(seed: int = 0) -> dict:
    key = jax.random.key(seed)
    k1, k2 = jax.random.split(key)
    queries = jax.random.normal(k1, (4096, 75), dtype=jnp.float32)
    keys = jax.random.normal(k2, (16384, 75), dtype=jnp.float32)
    return {"queries": queries, "keys": keys}

def reference(queries, keys):
    # LIDIA-style non-local patch search: exact L2 kNN over patch vectors,
    # gather the k=14 nearest patches, then distance-weighted aggregation
    # (the core retrieval + aggregation step of the patch denoise pipeline).
    # Rescale like the module: (x - 0.5)/0.5 then mean-subtract per-vector.
    q = (queries - 0.5) / 0.5
    kk = (keys - 0.5) / 0.5
    q = q - jnp.mean(q, axis=1, keepdims=True)
    kk = kk - jnp.mean(kk, axis=1, keepdims=True)
    q2 = jnp.sum(q * q, axis=1, keepdims=True)          # [Q, 1]
    k2 = jnp.sum(kk * kk, axis=1, keepdims=True)        # [K, 1]
    d2 = q2 + k2.T - 2.0 * (q @ kk.T)                   # [Q, K] squared L2
    neg_d, inds = jax.lax.top_k(-d2, K_NN)              # k smallest distances
    nn_patches = jnp.take(kk, inds, axis=0)             # [Q, K_NN, d] gather
    w = jax.nn.softmax(neg_d, axis=1)                   # distance weights
    agg = jnp.einsum('qk,qkd->qd', w, nn_patches)       # weighted neighbor agg
    return agg, inds

if __name__ == "__main__":
    import jax
    _d = setup_inputs()
    print(jax.jit(kernel)(*tuple(_d.values())))

</pallas_src>

<mosaic_0001>
#map = affine_map<(d0, d1) -> (0, 0)>
module attributes {stable_mosaic.version = 14 : i64} {
  func.func @_sc_kernel(%arg0: i32, %arg1: i32, %arg2: memref<16384x128xf32, #tpu.memory_space<hbm>>, %arg3: memref<1x57344xi32, #tpu.memory_space<hbm>>, %arg4: memref<57344x128xf32, #tpu.memory_space<hbm>>) attributes {dimension_semantics = [#tpu.dimension_semantics<core_parallel>, #tpu.dimension_semantics<subcore_parallel>], iteration_bounds = array<i64: 2, 16>, scalar_prefetch = 0 : i64, scratch_operands = 0 : i64, tpu.core_type = #tpu.core_type<sc_vector_subcore>, window_params = [{transform_indices = #map}, {transform_indices = #map}, {transform_indices = #map}]} {
    %mul3A = arith.constant 1 : i32
    %mul3A_0 = arith.muli %arg1, %mul3A : i32
    %add3A = arith.constant 0 : i32
    %add3A_1 = arith.addi %add3A, %mul3A_0 : i32
    %mul3A_2 = arith.constant 16 : i32
    %mul3A_3 = arith.muli %arg0, %mul3A_2 : i32
    %add3A_4 = arith.addi %add3A_1, %mul3A_3 : i32
    %mul3A_5 = arith.constant 14 : i32
    %mul3A_6 = arith.muli %add3A_4, %mul3A_5 : i32
    "tpu.region"() ({
      %run_scoped3A = memref.alloca() : memref<2x1x128xi32, #tpu.memory_space<vmem>>
      %run_scoped3A_7 = tpu.sem_alloc : memref<2x!tpu.dma_semaphore, #tpu.memory_space<semaphore_mem>>
      %run_scoped3A_8 = memref.alloca() : memref<2x128x128xf32, #tpu.memory_space<vmem>>
      %run_scoped3A_9 = tpu.sem_alloc : memref<2x!tpu.dma_semaphore, #tpu.memory_space<semaphore_mem>>
      %add3A_10 = arith.constant 0 : i32
      %add3A_11 = arith.addi %add3A_10, %mul3A_6 : i32
      %select_n3A = arith.constant true
      %select_n3A_12 = arith.constant 0 : i32
      %select_n3A_13 = arith.constant -1 : i32
      %select_n3A_14 = arith.select %select_n3A, %select_n3A_13, %select_n3A_12 : i32
      %eq3A = arith.constant -1 : i32
      %eq3A_15 = arith.cmpi eq, %select_n3A_14, %eq3A : i32
      %select_n3A_16 = arith.constant 13 : i32
      %select_n3A_17 = arith.select %eq3A_15, %select_n3A_16, %select_n3A_14 : i32
      %add3A_18 = arith.addi %select_n3A_17, %mul3A_6 : i32
      %select_n3A_19 = arith.constant true
      %select_n3A_20 = arith.constant 0 : i32
      %select_n3A_21 = arith.constant 1 : i32
      %select_n3A_22 = arith.select %select_n3A_19, %select_n3A_21, %select_n3A_20 : i32
      %eq3A_23 = arith.constant 14 : i32
      %eq3A_24 = arith.cmpi eq, %select_n3A_22, %eq3A_23 : i32
      %select_n3A_25 = arith.constant 0 : i32
      %select_n3A_26 = arith.select %eq3A_24, %select_n3A_25, %select_n3A_22 : i32
      %add3A_27 = arith.addi %select_n3A_26, %mul3A_6 : i32
      %add3A_28 = arith.constant 1 : i32
      %add3A_29 = arith.addi %select_n3A_26, %add3A_28 : i32
      %select_n3A_30 = arith.constant true
      %select_n3A_31 = arith.select %select_n3A_30, %add3A_29, %select_n3A_26 : i32
      %eq3A_32 = arith.constant 14 : i32
      %eq3A_33 = arith.cmpi eq, %select_n3A_31, %eq3A_32 : i32
      %select_n3A_34 = arith.constant 0 : i32
      %select_n3A_35 = arith.select %eq3A_33, %select_n3A_34, %select_n3A_31 : i32
      %add3A_36 = arith.addi %select_n3A_35, %mul3A_6 : i32
      "tpu.trace_start"() <{level = 10 : i32, message = "ep_initialize_0"}> : () -> ()
      %rem3A = arith.constant 0 : i32
      %rem3A_37 = arith.constant 2 : i32
      %rem3A_38 = arith.remui %rem3A, %rem3A_37 : i32
      %mul3A_39 = arith.constant 128 : i32
      %mul3A_40 = arith.muli %mul3A_39, %add3A_11 : i32
      %dma_start3A = arith.constant 0 : i32
      %dma_start3A_41 = arith.constant 0 : i32
      %dma_start3A_42 = tpu.memref_slice %run_scoped3A[%rem3A_38, %dma_start3A, %dma_start3A_41] : memref<2x1x128xi32, #tpu.memory_space<vmem>> -> memref<1x1x128xi32, #tpu.memory_space<vmem>>
      %dma_start3A_43 = tpu.memref_squeeze %dma_start3A_42 : memref<1x1x128xi32, #tpu.memory_space<vmem>> -> memref<1x128xi32, #tpu.memory_space<vmem>>
      %dma_start3A_44 = arith.constant 0 : i32
      %dma_start3A_45 = tpu.memref_slice %arg3[%dma_start3A_44, %mul3A_40] : memref<1x57344xi32, #tpu.memory_space<hbm>> -> memref<1x128xi32, #tpu.memory_space<hbm>>
      %dma_start3A_46 = tpu.memref_slice %run_scoped3A_7[%rem3A_38] : memref<2x!tpu.dma_semaphore, #tpu.memory_space<semaphore_mem>> -> memref<1x!tpu.dma_semaphore, #tpu.memory_space<semaphore_mem>>
      %dma_start3A_47 = tpu.memref_squeeze %dma_start3A_46 : memref<1x!tpu.dma_semaphore, #tpu.memory_space<semaphore_mem>> -> memref<!tpu.dma_semaphore, #tpu.memory_space<semaphore_mem>>
      %dma_start3A_48 = arith.constant 0 : i32
      %dma_start3A_49 = arith.constant 0 : i32
      %dma_start3A_50 = tpu.memref_slice %run_scoped3A[%rem3A_38, %dma_start3A_48, %dma_start3A_49] : memref<2x1x128xi32, #tpu.memory_space<vmem>> -> memref<1x1x128xi32, #tpu.memory_space<vmem>>
      %dma_start3A_51 = tpu.memref_squeeze %dma_start3A_50 : memref<1x1x128xi32, #tpu.memory_space<vmem>> -> memref<1x128xi32, #tpu.memory_space<vmem>>
      %dma_start3A_52 = arith.constant 0 : i32
      %dma_start3A_53 = tpu.memref_slice %arg3[%dma_start3A_52, %mul3A_40] : memref<1x57344xi32, #tpu.memory_space<hbm>> -> memref<1x128xi32, #tpu.memory_space<hbm>>
      tpu.enqueue_dma source(%dma_start3A_53 : memref<1x128xi32, #tpu.memory_space<hbm>>) target(%dma_start3A_51 : memref<1x128xi32, #tpu.memory_space<vmem>>) target_semaphore(%dma_start3A_47 : memref<!tpu.dma_semaphore, #tpu.memory_space<semaphore_mem>>)
      %add3A_54 = arith.constant 0 : i32
      %add3A_55 = arith.constant 1 : i32
      %add3A_56 = arith.addi %add3A_54, %add3A_55 : i32
      %select_n3A_57 = arith.constant true
      %select_n3A_58 = arith.constant 0 : i32
      %select_n3A_59 = arith.select %select_n3A_57, %add3A_56, %select_n3A_58 : i32
      "tpu.trace_stop"() : () -> ()
      %scan3A = arith.constant 0 : i32
      %scan3A_60 = arith.constant 0 : i32
      %scan3A_61 = arith.constant 0 : i32
      %scan3A_62 = arith.constant 0 : i32
      %scan3A_63 = arith.constant 0 : i32
      %scan3A_64 = arith.constant 14 : i32
      %scan3A_65 = arith.addi %scan3A_63, %scan3A_64 : i32
      %scan3A_66 = arith.constant 1 : i32
      %scan3A_67:5 = scf.for %scan3A_121 = %scan3A_63 to %scan3A_65 step %scan3A_66 iter_args(%scan3A_122 = %select_n3A_59, %scan3A_123 = %scan3A, %scan3A_124 = %scan3A_60, %scan3A_125 = %scan3A_61, %scan3A_126 = %scan3A_62) -> (i32, i32, i32, i32, i32)  : i32 {
        %eq3A_127 = arith.constant 0 : i32
        %eq3A_128 = arith.cmpi eq, %scan3A_121, %eq3A_127 : i32
        %eq3A_129 = arith.constant 13 : i32
        %eq3A_130 = arith.cmpi eq, %scan3A_121, %eq3A_129 : i32
        %add3A_131 = arith.addi %scan3A_126, %mul3A_6 : i32
        %sub3A_132 = arith.constant 1 : i32
        %sub3A_133 = arith.subi %scan3A_126, %sub3A_132 : i32
        %select_n3A_134 = arith.constant true
        %select_n3A_135 = arith.select %select_n3A_134, %sub3A_133, %scan3A_126 : i32
        %eq3A_136 = arith.constant -1 : i32
        %eq3A_137 = arith.cmpi eq, %select_n3A_135, %eq3A_136 : i32
        %select_n3A_138 = arith.constant 13 : i32
        %select_n3A_139 = arith.select %eq3A_137, %select_n3A_138, %select_n3A_135 : i32
        %add3A_140 = arith.addi %select_n3A_139, %mul3A_6 : i32
        %add3A_141 = arith.constant 1 : i32
        %add3A_142 = arith.addi %scan3A_126, %add3A_141 : i32
        %select_n3A_143 = arith.constant true
        %select_n3A_144 = arith.select %select_n3A_143, %add3A_142, %scan3A_126 : i32
        %eq3A_145 = arith.constant 14 : i32
        %eq3A_146 = arith.cmpi eq, %select_n3A_144, %eq3A_145 : i32
        %select_n3A_147 = arith.constant 0 : i32
        %select_n3A_148 = arith.select %eq3A_146, %select_n3A_147, %select_n3A_144 : i32
        %add3A_149 = arith.addi %select_n3A_148, %mul3A_6 : i32
        %add3A_150 = arith.constant 1 : i32
        %add3A_151 = arith.addi %select_n3A_148, %add3A_150 : i32
        %select_n3A_152 = arith.constant true
        %select_n3A_153 = arith.select %select_n3A_152, %add3A_151, %select_n3A_148 : i32
        %eq3A_154 = arith.constant 14 : i32
        %eq3A_155 = arith.cmpi eq, %select_n3A_153, %eq3A_154 : i32
        %select_n3A_156 = arith.constant 0 : i32
        %select_n3A_157 = arith.select %eq3A_155, %select_n3A_156, %select_n3A_153 : i32
        %add3A_158 = arith.addi %select_n3A_157, %mul3A_6 : i32
        %ne3A = arith.cmpi ne, %add3A_131, %add3A_149 : i32
        %or3A = arith.constant false
        %or3A_159 = arith.ori %or3A, %ne3A : i1
        %ge3A = arith.constant 13 : i32
        %ge3A_160 = arith.cmpi sge, %scan3A_121, %ge3A : i32
        %not3A = arith.constant true
        %not3A_161 = arith.xori %ge3A_160, %not3A : i1
        %and3A = arith.andi %or3A_159, %not3A_161 : i1
        %convert_element_type3A = arith.extui %and3A : i1 to i32
        %cond3A = arith.constant 0 : i32
        %cond3A_162 = arith.cmpi ne, %convert_element_type3A, %cond3A : i32
        scf.if %cond3A_162 {
          "tpu.trace_start"() <{level = 10 : i32, message = "ep_copy_in"}> : () -> ()
          %rem3A_264 = arith.constant 2 : i32
          %rem3A_265 = arith.remui %scan3A_122, %rem3A_264 : i32
          %mul3A_266 = arith.constant 128 : i32
          %mul3A_267 = arith.muli %mul3A_266, %add3A_149 : i32
          %dma_start3A_268 = arith.constant 0 : i32
          %dma_start3A_269 = arith.constant 0 : i32
          %dma_start3A_270 = tpu.memref_slice %run_scoped3A[%rem3A_265, %dma_start3A_268, %dma_start3A_269] : memref<2x1x128xi32, #tpu.memory_space<vmem>> -> memref<1x1x128xi32, #tpu.memory_space<vmem>>
          %dma_start3A_271 = tpu.memref_squeeze %dma_start3A_270 : memref<1x1x128xi32, #tpu.memory_space<vmem>> -> memref<1x128xi32, #tpu.memory_space<vmem>>
          %dma_start3A_272 = arith.constant 0 : i32
          %dma_start3A_273 = tpu.memref_slice %arg3[%dma_start3A_272, %mul3A_267] : memref<1x57344xi32, #tpu.memory_space<hbm>> -> memref<1x128xi32, #tpu.memory_space<hbm>>
          %dma_start3A_274 = tpu.memref_slice %run_scoped3A_7[%rem3A_265] : memref<2x!tpu.dma_semaphore, #tpu.memory_space<semaphore_mem>> -> memref<1x!tpu.dma_semaphore, #tpu.memory_space<semaphore_mem>>
          %dma_start3A_275 = tpu.memref_squeeze %dma_start3A_274 : memref<1x!tpu.dma_semaphore, #tpu.memory_space<semaphore_mem>> -> memref<!tpu.dma_semaphore, #tpu.memory_space<semaphore_mem>>
          %dma_start3A_276 = arith.constant 0 : i32
          %dma_start3A_277 = arith.constant 0 : i32
          %dma_start3A_278 = tpu.memref_slice %run_scoped3A[%rem3A_265, %dma_start3A_276, %dma_start3A_277] : memref<2x1x128xi32, #tpu.memory_space<vmem>> -> memref<1x1x128xi32, #tpu.memory_space<vmem>>
          %dma_start3A_279 = tpu.memref_squeeze %dma_start3A_278 : memref<1x1x128xi32, #tpu.memory_space<vmem>> -> memref<1x128xi32, #tpu.memory_space<vmem>>
          %dma_start3A_280 = arith.constant 0 : i32
          %dma_start3A_281 = tpu.memref_slice %arg3[%dma_start3A_280, %mul3A_267] : memref<1x57344xi32, #tpu.memory_space<hbm>> -> memref<1x128xi32, #tpu.memory_space<hbm>>
          tpu.enqueue_dma source(%dma_start3A_281 : memref<1x128xi32, #tpu.memory_space<hbm>>) target(%dma_start3A_279 : memref<1x128xi32, #tpu.memory_space<vmem>>) target_semaphore(%dma_start3A_275 : memref<!tpu.dma_semaphore, #tpu.memory_space<semaphore_mem>>)
          "tpu.trace_stop"() : () -> ()
        } else {
        }
        %and3A_163 = arith.constant true
        %and3A_164 = arith.andi %and3A, %and3A_163 : i1
        %add3A_165 = arith.constant 1 : i32
        %add3A_166 = arith.addi %scan3A_122, %add3A_165 : i32
        %select_n3A_167 = arith.select %and3A_164, %add3A_166, %scan3A_122 : i32
        %ne3A_168 = arith.cmpi ne, %add3A_131, %add3A_149 : i32
        %or3A_169 = arith.constant false
        %or3A_170 = arith.ori %or3A_169, %ne3A_168 : i1
        %or3A_171 = arith.constant false
        %or3A_172 = arith.ori %or3A_170, %or3A_171 : i1
        %ge3A_173 = arith.constant 13 : i32
        %ge3A_174 = arith.cmpi sge, %scan3A_121, %ge3A_173 : i32
        %not3A_175 = arith.constant true
        %not3A_176 = arith.xori %ge3A_174, %not3A_175 : i1
        %and3A_177 = arith.andi %or3A_172, %not3A_176 : i1
        %ne3A_178 = arith.cmpi ne, %add3A_131, %add3A_140 : i32
        %or3A_179 = arith.constant false
        %or3A_180 = arith.ori %or3A_179, %ne3A_178 : i1
        %or3A_181 = arith.ori %or3A_180, %eq3A_128 : i1
        %convert_element_type3A_182 = arith.extui %or3A_181 : i1 to i32
        %cond3A_183 = arith.constant 0 : i32
        %cond3A_184 = arith.cmpi ne, %convert_element_type3A_182, %cond3A_183 : i32
        scf.if %cond3A_184 {
          "tpu.trace_start"() <{level = 10 : i32, message = "ep_wait_in"}> : () -> ()
          %mul3A_264 = arith.constant 128 : i32
          %mul3A_265 = arith.muli %mul3A_264, %add3A_131 : i32
          %rem3A_266 = arith.constant 2 : i32
          %rem3A_267 = arith.remui %scan3A_123, %rem3A_266 : i32
          %dma_wait3A_268 = arith.constant 0 : i32
          %dma_wait3A_269 = arith.constant 0 : i32
          %dma_wait3A_270 = tpu.memref_slice %run_scoped3A[%rem3A_267, %dma_wait3A_268, %dma_wait3A_269] : memref<2x1x128xi32, #tpu.memory_space<vmem>> -> memref<1x1x128xi32, #tpu.memory_space<vmem>>
          %dma_wait3A_271 = tpu.memref_squeeze %dma_wait3A_270 : memref<1x1x128xi32, #tpu.memory_space<vmem>> -> memref<1x128xi32, #tpu.memory_space<vmem>>
          %dma_wait3A_272 = arith.constant 0 : i32
          %dma_wait3A_273 = tpu.memref_slice %arg3[%dma_wait3A_272, %mul3A_265] : memref<1x57344xi32, #tpu.memory_space<hbm>> -> memref<1x128xi32, #tpu.memory_space<hbm>>
          %dma_wait3A_274 = tpu.memref_slice %run_scoped3A_7[%rem3A_267] : memref<2x!tpu.dma_semaphore, #tpu.memory_space<semaphore_mem>> -> memref<1x!tpu.dma_semaphore, #tpu.memory_space<semaphore_mem>>
          %dma_wait3A_275 = tpu.memref_squeeze %dma_wait3A_274 : memref<1x!tpu.dma_semaphore, #tpu.memory_space<semaphore_mem>> -> memref<!tpu.dma_semaphore, #tpu.memory_space<semaphore_mem>>
          %dma_wait3A_276 = arith.constant 0 : i32
          %dma_wait3A_277 = arith.constant 0 : i32
          %dma_wait3A_278 = tpu.memref_slice %run_scoped3A[%rem3A_267, %dma_wait3A_276, %dma_wait3A_277] : memref<2x1x128xi32, #tpu.memory_space<vmem>> -> memref<1x1x128xi32, #tpu.memory_space<vmem>>
          %dma_wait3A_279 = tpu.memref_squeeze %dma_wait3A_278 : memref<1x1x128xi32, #tpu.memory_space<vmem>> -> memref<1x128xi32, #tpu.memory_space<vmem>>
          %dma_wait3A_280 = arith.constant 0 : i32
          %dma_wait3A_281 = tpu.memref_slice %arg3[%dma_wait3A_280, %mul3A_265] : memref<1x57344xi32, #tpu.memory_space<hbm>> -> memref<1x128xi32, #tpu.memory_space<hbm>>
          tpu.wait_dma2 semaphore(%dma_wait3A_275 : memref<!tpu.dma_semaphore, #tpu.memory_space<semaphore_mem>>) src(%dma_wait3A_281 : memref<1x128xi32, #tpu.memory_space<hbm>>) dst(%dma_wait3A_279 : memref<1x128xi32, #tpu.memory_space<vmem>>)
          "tpu.trace_stop"() : () -> ()
        } else {
        }
        %ne3A_185 = arith.cmpi ne, %add3A_131, %add3A_140 : i32
        %or3A_186 = arith.constant false
        %or3A_187 = arith.ori %or3A_186, %ne3A_185 : i1
        %or3A_188 = arith.constant false
        %or3A_189 = arith.ori %or3A_187, %or3A_188 : i1
        %or3A_190 = arith.ori %or3A_189, %eq3A_128 : i1
        %convert_element_type3A_191 = arith.extui %or3A_190 : i1 to i32
        %cond3A_192 = arith.constant 0 : i32
        %cond3A_193 = arith.cmpi ne, %convert_element_type3A_191, %cond3A_192 : i32
        scf.if %cond3A_193 {
        } else {
        }
        %rem3A_194 = arith.constant 2 : i32
        %rem3A_195 = arith.remui %scan3A_123, %rem3A_194 : i32
        %rem3A_196 = arith.constant 2 : i32
        %rem3A_197 = arith.remui %scan3A_124, %rem3A_196 : i32
        %run_scoped3A_198 = arith.constant 0 : i32
        "tpu.trace_start"() <{level = 10 : i32, message = "ep_run_kernel"}> : () -> ()
        "tpu.region"() ({
          %run_scoped3A_264 = tpu.sem_alloc : memref<!tpu.dma_semaphore, #tpu.memory_space<semaphore_mem>>
          %dma_start3A_265 = arith.constant 0 : i32
          %dma_start3A_266 = arith.constant 0 : i32
          %dma_start3A_267 = tpu.memref_slice %run_scoped3A_8[%rem3A_197, %dma_start3A_265, %dma_start3A_266] : memref<2x128x128xf32, #tpu.memory_space<vmem>> -> memref<1x128x128xf32, #tpu.memory_space<vmem>>
          %dma_start3A_268 = tpu.memref_squeeze %dma_start3A_267 : memref<1x128x128xf32, #tpu.memory_space<vmem>> -> memref<128x128xf32, #tpu.memory_space<vmem>>
          %dma_start3A_269 = arith.constant 0 : i32
          %dma_start3A_270 = arith.constant 0 : i32
          %dma_start3A_271 = tpu.memref_slice %run_scoped3A[%rem3A_195, %dma_start3A_269, %dma_start3A_270] : memref<2x1x128xi32, #tpu.memory_space<vmem>> -> memref<1x1x128xi32, #tpu.memory_space<vmem>>
          %dma_start3A_272 = tpu.memref_squeeze %dma_start3A_271 : memref<1x1x128xi32, #tpu.memory_space<vmem>> -> memref<1x128xi32, #tpu.memory_space<vmem>>
          %dma_start3A_273 = arith.constant 0 : i32
          %dma_start3A_274 = tpu.memref_slice %dma_start3A_272[%run_scoped3A_198, %dma_start3A_273] : memref<1x128xi32, #tpu.memory_space<vmem>> -> memref<1x128xi32, #tpu.memory_space<vmem>>
          %dma_start3A_275 = tpu.memref_squeeze %dma_start3A_274 : memref<1x128xi32, #tpu.memory_space<vmem>> -> memref<128xi32, #tpu.memory_space<vmem>>
          %dma_start3A_276 = arith.constant 0 : i32
          %dma_start3A_277 = arith.constant 0 : i32
          %dma_start3A_278 = tpu.memref_slice %arg2[%dma_start3A_276, %dma_start3A_277] : memref<16384x128xf32, #tpu.memory_space<hbm>> -> memref<16384x128xf32, #tpu.memory_space<hbm>>
          tpu.enqueue_indirect_dma source(%dma_start3A_278 : memref<16384x128xf32, #tpu.memory_space<hbm>>) target(%dma_start3A_268 : memref<128x128xf32, #tpu.memory_space<vmem>>) offsets(%dma_start3A_275 : memref<128xi32, #tpu.memory_space<vmem>>) semaphore(%run_scoped3A_264 : memref<!tpu.dma_semaphore, #tpu.memory_space<semaphore_mem>>)
          %dma_wait3A_279 = arith.constant 0 : i32
          %dma_wait3A_280 = arith.constant 0 : i32
          %dma_wait3A_281 = tpu.memref_slice %run_scoped3A_8[%rem3A_197, %dma_wait3A_279, %dma_wait3A_280] : memref<2x128x128xf32, #tpu.memory_space<vmem>> -> memref<1x128x128xf32, #tpu.memory_space<vmem>>
          %dma_wait3A_282 = tpu.memref_squeeze %dma_wait3A_281 : memref<1x128x128xf32, #tpu.memory_space<vmem>> -> memref<128x128xf32, #tpu.memory_space<vmem>>
          %dma_wait3A_283 = arith.constant 0 : i32
          %dma_wait3A_284 = arith.constant 0 : i32
          %dma_wait3A_285 = tpu.memref_slice %run_scoped3A[%rem3A_195, %dma_wait3A_283, %dma_wait3A_284] : memref<2x1x128xi32, #tpu.memory_space<vmem>> -> memref<1x1x128xi32, #tpu.memory_space<vmem>>
          %dma_wait3A_286 = tpu.memref_squeeze %dma_wait3A_285 : memref<1x1x128xi32, #tpu.memory_space<vmem>> -> memref<1x128xi32, #tpu.memory_space<vmem>>
          %dma_wait3A_287 = arith.constant 0 : i32
          %dma_wait3A_288 = tpu.memref_slice %dma_wait3A_286[%run_scoped3A_198, %dma_wait3A_287] : memref<1x128xi32, #tpu.memory_space<vmem>> -> memref<1x128xi32, #tpu.memory_space<vmem>>
          %dma_wait3A_289 = tpu.memref_squeeze %dma_wait3A_288 : memref<1x128xi32, #tpu.memory_space<vmem>> -> memref<128xi32, #tpu.memory_space<vmem>>
          %dma_wait3A_290 = arith.constant 0 : i32
          %dma_wait3A_291 = arith.constant 0 : i32
          %dma_wait3A_292 = tpu.memref_slice %arg2[%dma_wait3A_290, %dma_wait3A_291] : memref<16384x128xf32, #tpu.memory_space<hbm>> -> memref<16384x128xf32, #tpu.memory_space<hbm>>
          tpu.wait_indirect_dma semaphore(%run_scoped3A_264 : memref<!tpu.dma_semaphore, #tpu.memory_space<semaphore_mem>>) src(%dma_wait3A_292 : memref<16384x128xf32, #tpu.memory_space<hbm>>) dst(%dma_wait3A_282 : memref<128x128xf32, #tpu.memory_space<vmem>>)
          tpu.yield
        }) : () -> ()
        "tpu.trace_stop"() : () -> ()
        %ne3A_199 = arith.cmpi ne, %add3A_131, %add3A_149 : i32
        %or3A_200 = arith.constant false
        %or3A_201 = arith.ori %or3A_200, %ne3A_199 : i1
        %or3A_202 = arith.ori %or3A_201, %eq3A_130 : i1
        %convert_element_type3A_203 = arith.extui %or3A_202 : i1 to i32
        %cond3A_204 = arith.constant 0 : i32
        %cond3A_205 = arith.cmpi ne, %convert_element_type3A_203, %cond3A_204 : i32
        scf.if %cond3A_205 {
        } else {
        }
        %and3A_206 = arith.constant false
        %and3A_207 = arith.andi %or3A_202, %and3A_206 : i1
        %ne3A_208 = arith.cmpi ne, %add3A_131, %add3A_149 : i32
        %or3A_209 = arith.constant false
        %or3A_210 = arith.ori %or3A_209, %ne3A_208 : i1
        %or3A_211 = arith.constant false
        %or3A_212 = arith.ori %or3A_210, %or3A_211 : i1
        %or3A_213 = arith.ori %or3A_212, %eq3A_130 : i1
        %convert_element_type3A_214 = arith.extui %or3A_213 : i1 to i32
        %cond3A_215 = arith.constant 0 : i32
        %cond3A_216 = arith.cmpi ne, %convert_element_type3A_214, %cond3A_215 : i32
        scf.if %cond3A_216 {
          "tpu.trace_start"() <{level = 10 : i32, message = "ep_copy_out"}> : () -> ()
          %rem3A_264 = arith.constant 2 : i32
          %rem3A_265 = arith.remui %scan3A_124, %rem3A_264 : i32
          %mul3A_266 = arith.constant 128 : i32
          %mul3A_267 = arith.muli %mul3A_266, %add3A_131 : i32
          %dma_start3A_268 = arith.constant 0 : i32
          %dma_start3A_269 = arith.constant 0 : i32
          %dma_start3A_270 = tpu.memref_slice %run_scoped3A_8[%rem3A_265, %dma_start3A_268, %dma_start3A_269] : memref<2x128x128xf32, #tpu.memory_space<vmem>> -> memref<1x128x128xf32, #tpu.memory_space<vmem>>
          %dma_start3A_271 = tpu.memref_squeeze %dma_start3A_270 : memref<1x128x128xf32, #tpu.memory_space<vmem>> -> memref<128x128xf32, #tpu.memory_space<vmem>>
          %dma_start3A_272 = arith.constant 0 : i32
          %dma_start3A_273 = tpu.memref_slice %arg4[%mul3A_267, %dma_start3A_272] : memref<57344x128xf32, #tpu.memory_space<hbm>> -> memref<128x128xf32, #tpu.memory_space<hbm>>
          %dma_start3A_274 = tpu.memref_slice %run_scoped3A_9[%rem3A_265] : memref<2x!tpu.dma_semaphore, #tpu.memory_space<semaphore_mem>> -> memref<1x!tpu.dma_semaphore, #tpu.memory_space<semaphore_mem>>
          %dma_start3A_275 = tpu.memref_squeeze %dma_start3A_274 : memref<1x!tpu.dma_semaphore, #tpu.memory_space<semaphore_mem>> -> memref<!tpu.dma_semaphore, #tpu.memory_space<semaphore_mem>>
          %dma_start3A_276 = arith.constant 0 : i32
          %dma_start3A_277 = tpu.memref_slice %arg4[%mul3A_267, %dma_start3A_276] : memref<57344x128xf32, #tpu.memory_space<hbm>> -> memref<128x128xf32, #tpu.memory_space<hbm>>
          %dma_start3A_278 = arith.constant 0 : i32
          %dma_start3A_279 = arith.constant 0 : i32
          %dma_start3A_280 = tpu.memref_slice %run_scoped3A_8[%rem3A_265, %dma_start3A_278, %dma_start3A_279] : memref<2x128x128xf32, #tpu.memory_space<vmem>> -> memref<1x128x128xf32, #tpu.memory_space<vmem>>
          %dma_start3A_281 = tpu.memref_squeeze %dma_start3A_280 : memref<1x128x128xf32, #tpu.memory_space<vmem>> -> memref<128x128xf32, #tpu.memory_space<vmem>>
          tpu.enqueue_dma source(%dma_start3A_281 : memref<128x128xf32, #tpu.memory_space<vmem>>) target(%dma_start3A_277 : memref<128x128xf32, #tpu.memory_space<hbm>>) target_semaphore(%dma_start3A_275 : memref<!tpu.dma_semaphore, #tpu.memory_space<semaphore_mem>>)
          "tpu.trace_stop"() : () -> ()
        } else {
        }
        %and3A_217 = arith.constant true
        %and3A_218 = arith.andi %or3A_213, %and3A_217 : i1
        %add3A_219 = arith.constant 1 : i32
        %add3A_220 = arith.addi %scan3A_124, %add3A_219 : i32
        %select_n3A_221 = arith.select %and3A_218, %add3A_220, %scan3A_124 : i32
        %ne3A_222 = arith.cmpi ne, %add3A_131, %add3A_140 : i32
        %or3A_223 = arith.constant false
        %or3A_224 = arith.ori %or3A_223, %ne3A_222 : i1
        %not3A_225 = arith.constant true
        %not3A_226 = arith.xori %eq3A_128, %not3A_225 : i1
        %and3A_227 = arith.andi %or3A_224, %not3A_226 : i1
        %convert_element_type3A_228 = arith.extui %and3A_227 : i1 to i32
        %cond3A_229 = arith.constant 0 : i32
        %cond3A_230 = arith.cmpi ne, %convert_element_type3A_228, %cond3A_229 : i32
        scf.if %cond3A_230 {
        } else {
        }
        %and3A_231 = arith.constant false
        %and3A_232 = arith.andi %and3A_227, %and3A_231 : i1
        %ne3A_233 = arith.cmpi ne, %add3A_131, %add3A_140 : i32
        %or3A_234 = arith.constant false
        %or3A_235 = arith.ori %or3A_234, %ne3A_233 : i1
        %or3A_236 = arith.constant false
        %or3A_237 = arith.ori %or3A_235, %or3A_236 : i1
        %not3A_238 = arith.constant true
        %not3A_239 = arith.xori %eq3A_128, %not3A_238 : i1
        %and3A_240 = arith.andi %or3A_237, %not3A_239 : i1
        %convert_element_type3A_241 = arith.extui %and3A_240 : i1 to i32
        %cond3A_242 = arith.constant 0 : i32
        %cond3A_243 = arith.cmpi ne, %convert_element_type3A_241, %cond3A_242 : i32
        scf.if %cond3A_243 {
          "tpu.trace_start"() <{level = 10 : i32, message = "ep_wait_out"}> : () -> ()
          %rem3A_264 = arith.constant 2 : i32
          %rem3A_265 = arith.remui %scan3A_125, %rem3A_264 : i32
          %mul3A_266 = arith.constant 128 : i32
          %mul3A_267 = arith.muli %mul3A_266, %add3A_140 : i32
          %dma_wait3A_268 = arith.constant 0 : i32
          %dma_wait3A_269 = arith.constant 0 : i32
          %dma_wait3A_270 = tpu.memref_slice %run_scoped3A_8[%rem3A_265, %dma_wait3A_268, %dma_wait3A_269] : memref<2x128x128xf32, #tpu.memory_space<vmem>> -> memref<1x128x128xf32, #tpu.memory_space<vmem>>
          %dma_wait3A_271 = tpu.memref_squeeze %dma_wait3A_270 : memref<1x128x128xf32, #tpu.memory_space<vmem>> -> memref<128x128xf32, #tpu.memory_space<vmem>>
          %dma_wait3A_272 = arith.constant 0 : i32
          %dma_wait3A_273 = tpu.memref_slice %arg4[%mul3A_267, %dma_wait3A_272] : memref<57344x128xf32, #tpu.memory_space<hbm>> -> memref<128x128xf32, #tpu.memory_space<hbm>>
          %dma_wait3A_274 = tpu.memref_slice %run_scoped3A_9[%rem3A_265] : memref<2x!tpu.dma_semaphore, #tpu.memory_space<semaphore_mem>> -> memref<1x!tpu.dma_semaphore, #tpu.memory_space<semaphore_mem>>
          %dma_wait3A_275 = tpu.memref_squeeze %dma_wait3A_274 : memref<1x!tpu.dma_semaphore, #tpu.memory_space<semaphore_mem>> -> memref<!tpu.dma_semaphore, #tpu.memory_space<semaphore_mem>>
          %dma_wait3A_276 = arith.constant 0 : i32
          %dma_wait3A_277 = tpu.memref_slice %arg4[%mul3A_267, %dma_wait3A_276] : memref<57344x128xf32, #tpu.memory_space<hbm>> -> memref<128x128xf32, #tpu.memory_space<hbm>>
          %dma_wait3A_278 = arith.constant 0 : i32
          %dma_wait3A_279 = arith.constant 0 : i32
          %dma_wait3A_280 = tpu.memref_slice %run_scoped3A_8[%rem3A_265, %dma_wait3A_278, %dma_wait3A_279] : memref<2x128x128xf32, #tpu.memory_space<vmem>> -> memref<1x128x128xf32, #tpu.memory_space<vmem>>
          %dma_wait3A_281 = tpu.memref_squeeze %dma_wait3A_280 : memref<1x128x128xf32, #tpu.memory_space<vmem>> -> memref<128x128xf32, #tpu.memory_space<vmem>>
          tpu.wait_dma2 semaphore(%dma_wait3A_275 : memref<!tpu.dma_semaphore, #tpu.memory_space<semaphore_mem>>) src(%dma_wait3A_281 : memref<128x128xf32, #tpu.memory_space<vmem>>) dst(%dma_wait3A_277 : memref<128x128xf32, #tpu.memory_space<hbm>>)
          "tpu.trace_stop"() : () -> ()
        } else {
        }
        %and3A_244 = arith.constant true
        %and3A_245 = arith.andi %and3A_240, %and3A_244 : i1
        %add3A_246 = arith.constant 1 : i32
        %add3A_247 = arith.addi %scan3A_125, %add3A_246 : i32
        %select_n3A_248 = arith.select %and3A_245, %add3A_247, %scan3A_125 : i32
        %ne3A_249 = arith.cmpi ne, %add3A_131, %add3A_149 : i32
        %or3A_250 = arith.constant false
        %or3A_251 = arith.ori %or3A_250, %ne3A_249 : i1
        %or3A_252 = arith.ori %or3A_251, %eq3A_130 : i1
        %add3A_253 = arith.constant 1 : i32
        %add3A_254 = arith.addi %scan3A_123, %add3A_253 : i32
        %select_n3A_255 = arith.select %or3A_252, %add3A_254, %scan3A_123 : i32
        %add3A_256 = arith.constant 1 : i32
        %add3A_257 = arith.addi %scan3A_126, %add3A_256 : i32
        %select_n3A_258 = arith.constant true
        %select_n3A_259 = arith.select %select_n3A_258, %add3A_257, %scan3A_126 : i32
        %eq3A_260 = arith.constant 14 : i32
        %eq3A_261 = arith.cmpi eq, %select_n3A_259, %eq3A_260 : i32
        %select_n3A_262 = arith.constant 0 : i32
        %select_n3A_263 = arith.select %eq3A_261, %select_n3A_262, %select_n3A_259 : i32
        scf.yield %select_n3A_167, %select_n3A_255, %select_n3A_221, %select_n3A_248, %select_n3A_263 : i32, i32, i32, i32, i32
      }
      %scan3A_68 = arith.constant 14 : i32
      %sub3A = arith.constant 1 : i32
      %sub3A_69 = arith.subi %scan3A_67#4, %sub3A : i32
      %select_n3A_70 = arith.constant true
      %select_n3A_71 = arith.select %select_n3A_70, %sub3A_69, %scan3A_67#4 : i32
      %eq3A_72 = arith.constant -1 : i32
      %eq3A_73 = arith.cmpi eq, %select_n3A_71, %eq3A_72 : i32
      %select_n3A_74 = arith.constant 13 : i32
      %select_n3A_75 = arith.select %eq3A_73, %select_n3A_74, %select_n3A_71 : i32
      %add3A_76 = arith.addi %select_n3A_75, %mul3A_6 : i32
      %sub3A_77 = arith.constant 1 : i32
      %sub3A_78 = arith.subi %select_n3A_75, %sub3A_77 : i32
      %select_n3A_79 = arith.constant true
      %select_n3A_80 = arith.select %select_n3A_79, %sub3A_78, %select_n3A_75 : i32
      %eq3A_81 = arith.constant -1 : i32
      %eq3A_82 = arith.cmpi eq, %select_n3A_80, %eq3A_81 : i32
      %select_n3A_83 = arith.constant 13 : i32
      %select_n3A_84 = arith.select %eq3A_82, %select_n3A_83, %select_n3A_80 : i32
      %add3A_85 = arith.addi %select_n3A_84, %mul3A_6 : i32
      %add3A_86 = arith.constant 1 : i32
      %add3A_87 = arith.addi %select_n3A_75, %add3A_86 : i32
      %select_n3A_88 = arith.constant true
      %select_n3A_89 = arith.select %select_n3A_88, %add3A_87, %select_n3A_75 : i32
      %eq3A_90 = arith.constant 14 : i32
      %eq3A_91 = arith.cmpi eq, %select_n3A_89, %eq3A_90 : i32
      %select_n3A_92 = arith.constant 0 : i32
      %select_n3A_93 = arith.select %eq3A_91, %select_n3A_92, %select_n3A_89 : i32
      %add3A_94 = arith.addi %select_n3A_93, %mul3A_6 : i32
      %add3A_95 = arith.constant 1 : i32
      %add3A_96 = arith.addi %select_n3A_93, %add3A_95 : i32
      %select_n3A_97 = arith.constant true
      %select_n3A_98 = arith.select %select_n3A_97, %add3A_96, %select_n3A_93 : i32
      %eq3A_99 = arith.constant 14 : i32
      %eq3A_100 = arith.cmpi eq, %select_n3A_98, %eq3A_99 : i32
      %select_n3A_101 = arith.constant 0 : i32
      %select_n3A_102 = arith.select %eq3A_100, %select_n3A_101, %select_n3A_98 : i32
      %add3A_103 = arith.addi %select_n3A_102, %mul3A_6 : i32
      "tpu.trace_start"() <{level = 10 : i32, message = "ep_finalize"}> : () -> ()
      %rem3A_104 = arith.constant 2 : i32
      %rem3A_105 = arith.remui %scan3A_67#3, %rem3A_104 : i32
      %mul3A_106 = arith.constant 128 : i32
      %mul3A_107 = arith.muli %mul3A_106, %add3A_76 : i32
      %dma_wait3A = arith.constant 0 : i32
      %dma_wait3A_108 = arith.constant 0 : i32
      %dma_wait3A_109 = tpu.memref_slice %run_scoped3A_8[%rem3A_105, %dma_wait3A, %dma_wait3A_108] : memref<2x128x128xf32, #tpu.memory_space<vmem>> -> memref<1x128x128xf32, #tpu.memory_space<vmem>>
      %dma_wait3A_110 = tpu.memref_squeeze %dma_wait3A_109 : memref<1x128x128xf32, #tpu.memory_space<vmem>> -> memref<128x128xf32, #tpu.memory_space<vmem>>
      %dma_wait3A_111 = arith.constant 0 : i32
      %dma_wait3A_112 = tpu.memref_slice %arg4[%mul3A_107, %dma_wait3A_111] : memref<57344x128xf32, #tpu.memory_space<hbm>> -> memref<128x128xf32, #tpu.memory_space<hbm>>
      %dma_wait3A_113 = tpu.memref_slice %run_scoped3A_9[%rem3A_105] : memref<2x!tpu.dma_semaphore, #tpu.memory_space<semaphore_mem>> -> memref<1x!tpu.dma_semaphore, #tpu.memory_space<semaphore_mem>>
      %dma_wait3A_114 = tpu.memref_squeeze %dma_wait3A_113 : memref<1x!tpu.dma_semaphore, #tpu.memory_space<semaphore_mem>> -> memref<!tpu.dma_semaphore, #tpu.memory_space<semaphore_mem>>
      %dma_wait3A_115 = arith.constant 0 : i32
      %dma_wait3A_116 = tpu.memref_slice %arg4[%mul3A_107, %dma_wait3A_115] : memref<57344x128xf32, #tpu.memory_space<hbm>> -> memref<128x128xf32, #tpu.memory_space<hbm>>
      %dma_wait3A_117 = arith.constant 0 : i32
      %dma_wait3A_118 = arith.constant 0 : i32
      %dma_wait3A_119 = tpu.memref_slice %run_scoped3A_8[%rem3A_105, %dma_wait3A_117, %dma_wait3A_118] : memref<2x128x128xf32, #tpu.memory_space<vmem>> -> memref<1x128x128xf32, #tpu.memory_space<vmem>>
      %dma_wait3A_120 = tpu.memref_squeeze %dma_wait3A_119 : memref<1x128x128xf32, #tpu.memory_space<vmem>> -> memref<128x128xf32, #tpu.memory_space<vmem>>
      tpu.wait_dma2 semaphore(%dma_wait3A_114 : memref<!tpu.dma_semaphore, #tpu.memory_space<semaphore_mem>>) src(%dma_wait3A_120 : memref<128x128xf32, #tpu.memory_space<vmem>>) dst(%dma_wait3A_116 : memref<128x128xf32, #tpu.memory_space<hbm>>)
      "tpu.trace_stop"() : () -> ()
      tpu.yield
    }) : () -> ()
    return
  }
}

module attributes {stable_mosaic.version = 14 : i64} {
  func.func @_prep_body(%arg0: memref<16384x128xf32, #tpu.memory_space<vmem>>, %arg1: memref<128x16384xf32, #tpu.memory_space<vmem>>, %arg2: memref<16384x128xf32, #tpu.memory_space<vmem>>, %arg3: memref<128x16384xbf16, #tpu.memory_space<vmem>>, %arg4: memref<8x16384xf32, #tpu.memory_space<vmem>>) attributes {dimension_semantics = [], scalar_prefetch = 0 : i64, scratch_operands = 0 : i64, tpu.core_type = #tpu.core_type<tc>} {
    %get3A = arith.constant 0 : index
    %get3A_0 = arith.constant 0 : index
    %get3A_1 = vector.load %arg0[%get3A, %get3A_0] : memref<16384x128xf32, #tpu.memory_space<vmem>>, vector<16384x128xf32>
    %sub3A = arith.constant 5.000000e-01 : f32
    %sub3A_2 = vector.broadcast %sub3A : f32 to vector<16384x128xf32>
    %sub3A_3 = arith.subf %get3A_1, %sub3A_2 : vector<16384x128xf32>
    %mul3A = arith.constant 2.000000e+00 : f32
    %mul3A_4 = vector.broadcast %mul3A : f32 to vector<16384x128xf32>
    %mul3A_5 = arith.mulf %sub3A_3, %mul3A_4 : vector<16384x128xf32>
    %iota3A = tpu.iota {dimensions = array<i32: 1>} : vector<16384x128xi32>
    %reduce_sum3A = arith.constant dense<0.000000e+00> : vector<16384xf32>
    %reduce_sum3A_6 = vector.multi_reduction <add>, %mul3A_5, %reduce_sum3A [1] : vector<16384x128xf32> to vector<16384xf32>
    %broadcast_in_dim3A = vector.shape_cast %reduce_sum3A_6 : vector<16384xf32> to vector<16384x1xf32>
    %div3A = arith.constant 7.500000e+01 : f32
    %div3A_7 = vector.broadcast %div3A : f32 to vector<16384x1xf32>
    %div3A_8 = arith.divf %broadcast_in_dim3A, %div3A_7 : vector<16384x1xf32>
    %lt3A = arith.constant 75 : i32
    %lt3A_9 = vector.broadcast %lt3A : i32 to vector<16384x128xi32>
    %lt3A_10 = arith.cmpi slt, %iota3A, %lt3A_9 : vector<16384x128xi32>
    %sub3A_11 = vector.broadcast %div3A_8 : vector<16384x1xf32> to vector<16384x128xf32>
    %sub3A_12 = arith.subf %mul3A_5, %sub3A_11 : vector<16384x128xf32>
    %jit3A = arith.constant 0.000000e+00 : f32
    %broadcast_in_dim3A_13 = vector.broadcast %jit3A : f32 to vector<16384x128xf32>
    %select_n3A = arith.select %lt3A_10, %sub3A_12, %broadcast_in_dim3A_13 : vector<16384x128xi1>, vector<16384x128xf32>
    %swap3A = arith.constant 0 : index
    %swap3A_14 = arith.constant 0 : index
    %swap3A_15 = vector.load %arg2[%swap3A, %swap3A_14] : memref<16384x128xf32, #tpu.memory_space<vmem>>, vector<16384x128xf32>
    tpu.vector_store %arg2[%swap3A, %swap3A_14], %select_n3A {strides = array<i32>} : memref<16384x128xf32, #tpu.memory_space<vmem>>, vector<16384x128xf32>,
    %get3A_16 = arith.constant 0 : index
    %get3A_17 = arith.constant 0 : index
    %get3A_18 = vector.load %arg1[%get3A_16, %get3A_17] : memref<128x16384xf32, #tpu.memory_space<vmem>>, vector<128x16384xf32>
    %sub3A_19 = arith.constant 5.000000e-01 : f32
    %sub3A_20 = vector.broadcast %sub3A_19 : f32 to vector<128x16384xf32>
    %sub3A_21 = arith.subf %get3A_18, %sub3A_20 : vector<128x16384xf32>
    %mul3A_22 = arith.constant 2.000000e+00 : f32
    %mul3A_23 = vector.broadcast %mul3A_22 : f32 to vector<128x16384xf32>
    %mul3A_24 = arith.mulf %sub3A_21, %mul3A_23 : vector<128x16384xf32>
    %iota3A_25 = tpu.iota {dimensions = array<i32: 0>} : vector<128x16384xi32>
    %reduce_sum3A_26 = arith.constant dense<0.000000e+00> : vector<16384xf32>
    %reduce_sum3A_27 = vector.multi_reduction <add>, %mul3A_24, %reduce_sum3A_26 [0] : vector<128x16384xf32> to vector<16384xf32>
    %broadcast_in_dim3A_28 = vector.shape_cast %reduce_sum3A_27 : vector<16384xf32> to vector<1x16384xf32>
    %div3A_29 = arith.constant 7.500000e+01 : f32
    %div3A_30 = vector.broadcast %div3A_29 : f32 to vector<1x16384xf32>
    %div3A_31 = arith.divf %broadcast_in_dim3A_28, %div3A_30 : vector<1x16384xf32>
    %lt3A_32 = arith.constant 75 : i32
    %lt3A_33 = vector.broadcast %lt3A_32 : i32 to vector<128x16384xi32>
    %lt3A_34 = arith.cmpi slt, %iota3A_25, %lt3A_33 : vector<128x16384xi32>
    %sub3A_35 = vector.broadcast %div3A_31 : vector<1x16384xf32> to vector<128x16384xf32>
    %sub3A_36 = arith.subf %mul3A_24, %sub3A_35 : vector<128x16384xf32>
    %jit3A_37 = arith.constant 0.000000e+00 : f32
    %broadcast_in_dim3A_38 = vector.broadcast %jit3A_37 : f32 to vector<128x16384xf32>
    %select_n3A_39 = arith.select %lt3A_34, %sub3A_36, %broadcast_in_dim3A_38 : vector<128x16384xi1>, vector<128x16384xf32>
    %mul3A_40 = arith.mulf %select_n3A_39, %select_n3A_39 : vector<128x16384xf32>
    %reduce_sum3A_41 = arith.constant dense<0.000000e+00> : vector<16384xf32>
    %reduce_sum3A_42 = vector.multi_reduction <add>, %mul3A_40, %reduce_sum3A_41 [0] : vector<128x16384xf32> to vector<16384xf32>
    %broadcast_in_dim3A_43 = vector.shape_cast %reduce_sum3A_42 : vector<16384xf32> to vector<1x16384xf32>
    %convert_element_type3A = arith.truncf %select_n3A_39 : vector<128x16384xf32> to vector<128x16384xbf16>
    %swap3A_44 = arith.constant 0 : index
    %swap3A_45 = arith.constant 0 : index
    %swap3A_46 = vector.load %arg3[%swap3A_44, %swap3A_45] : memref<128x16384xbf16, #tpu.memory_space<vmem>>, vector<128x16384xbf16>
    tpu.vector_store %arg3[%swap3A_44, %swap3A_45], %convert_element_type3A {strides = array<i32>} : memref<128x16384xbf16, #tpu.memory_space<vmem>>, vector<128x16384xbf16>,
    %broadcast_in_dim3A_47 = vector.shape_cast %broadcast_in_dim3A_43 : vector<1x16384xf32> to vector<1x16384xf32>
    %broadcast_in_dim3A_48 = vector.broadcast %broadcast_in_dim3A_47 : vector<1x16384xf32> to vector<8x16384xf32>
    %swap3A_49 = arith.constant 0 : index
    %swap3A_50 = arith.constant 0 : index
    %swap3A_51 = vector.load %arg4[%swap3A_49, %swap3A_50] : memref<8x16384xf32, #tpu.memory_space<vmem>>, vector<8x16384xf32>
    tpu.vector_store %arg4[%swap3A_49, %swap3A_50], %broadcast_in_dim3A_48 {strides = array<i32>} : memref<8x16384xf32, #tpu.memory_space<vmem>>, vector<8x16384xf32>,
    return
  }
}

module attributes {stable_mosaic.version = 14 : i64} {
  func.func @_main_body(%arg0: i32, %arg1: memref<128x128xf32, #tpu.memory_space<vmem>>, %arg2: memref<128x16384xbf16, #tpu.memory_space<vmem>>, %arg3: memref<8x16384xf32, #tpu.memory_space<vmem>>, %arg4: memref<128x128xi32, #tpu.memory_space<vmem>>, %arg5: memref<128x128xf32, #tpu.memory_space<vmem>>) attributes {dimension_semantics = [#tpu.dimension_semantics<arbitrary>], iteration_bounds = array<i64: 32>, scalar_prefetch = 0 : i64, scratch_operands = 0 : i64, tpu.core_type = #tpu.core_type<tc>, window_params = [{transform_indices = @transform_0, window_bounds = array<i64: 128, 128>}, {pipeline_mode = #tpu.pipeline_mode<synchronous>, transform_indices = @transform_1, window_bounds = array<i64: 128, 16384>}, {pipeline_mode = #tpu.pipeline_mode<synchronous>, transform_indices = @transform_2, window_bounds = array<i64: 8, 16384>}, {transform_indices = @transform_3, window_bounds = array<i64: 128, 128>}, {transform_indices = @transform_4, window_bounds = array<i64: 128, 128>}]} {
    %get3A = arith.constant 0 : index
    %get3A_0 = arith.constant 0 : index
    %get3A_1 = vector.load %arg1[%get3A, %get3A_0] : memref<128x128xf32, #tpu.memory_space<vmem>>, vector<128x128xf32>
    %sub3A = arith.constant 5.000000e-01 : f32
    %sub3A_2 = vector.broadcast %sub3A : f32 to vector<128x128xf32>
    %sub3A_3 = arith.subf %get3A_1, %sub3A_2 : vector<128x128xf32>
    %mul3A = arith.constant 2.000000e+00 : f32
    %mul3A_4 = vector.broadcast %mul3A : f32 to vector<128x128xf32>
    %mul3A_5 = arith.mulf %sub3A_3, %mul3A_4 : vector<128x128xf32>
    %iota3A = tpu.iota {dimensions = array<i32: 1>} : vector<128x128xi32>
    %reduce_sum3A = arith.constant dense<0.000000e+00> : vector<128xf32>
    %reduce_sum3A_6 = vector.multi_reduction <add>, %mul3A_5, %reduce_sum3A [1] : vector<128x128xf32> to vector<128xf32>
    %broadcast_in_dim3A = vector.shape_cast %reduce_sum3A_6 : vector<128xf32> to vector<128x1xf32>
    %div3A = arith.constant 7.500000e+01 : f32
    %div3A_7 = vector.broadcast %div3A : f32 to vector<128x1xf32>
    %div3A_8 = arith.divf %broadcast_in_dim3A, %div3A_7 : vector<128x1xf32>
    %lt3A = arith.constant 75 : i32
    %lt3A_9 = vector.broadcast %lt3A : i32 to vector<128x128xi32>
    %lt3A_10 = arith.cmpi slt, %iota3A, %lt3A_9 : vector<128x128xi32>
    %sub3A_11 = vector.broadcast %div3A_8 : vector<128x1xf32> to vector<128x128xf32>
    %sub3A_12 = arith.subf %mul3A_5, %sub3A_11 : vector<128x128xf32>
    %jit3A = arith.constant 0.000000e+00 : f32
    %broadcast_in_dim3A_13 = vector.broadcast %jit3A : f32 to vector<128x128xf32>
    %select_n3A = arith.select %lt3A_10, %sub3A_12, %broadcast_in_dim3A_13 : vector<128x128xi1>, vector<128x128xf32>
    %mul3A_14 = arith.mulf %select_n3A, %select_n3A : vector<128x128xf32>
    %reduce_sum3A_15 = arith.constant dense<0.000000e+00> : vector<128xf32>
    %reduce_sum3A_16 = vector.multi_reduction <add>, %mul3A_14, %reduce_sum3A_15 [1] : vector<128x128xf32> to vector<128xf32>
    %broadcast_in_dim3A_17 = vector.shape_cast %reduce_sum3A_16 : vector<128xf32> to vector<128x1xf32>
    %get3A_18 = arith.constant 0 : index
    %get3A_19 = arith.constant 0 : index
    %get3A_20 = vector.load %arg2[%get3A_18, %get3A_19] : memref<128x16384xbf16, #tpu.memory_space<vmem>>, vector<128x16384xbf16>
    %get3A_21 = arith.constant 0 : index
    %get3A_22 = arith.constant 0 : index
    %get3A_23 = vector.load %arg3[%get3A_21, %get3A_22] : memref<8x16384xf32, #tpu.memory_space<vmem>>, vector<1x16384xf32>
    %convert_element_type3A = arith.truncf %select_n3A : vector<128x128xf32> to vector<128x128xbf16>
    %dot_general3A = arith.constant dense<0.000000e+00> : vector<128x16384xf32>
    %dot_general3A_24 = tpu.matmul %convert_element_type3A, %get3A_20, %dot_general3A {dimension_numbers = #tpu.dot_dimension_numbers<[1], [0], [0], [1], [0, 0, 1, 1], [], []>, transpose_lhs_hint = false} : vector<128x128xbf16>, vector<128x16384xbf16>, vector<128x16384xf32> -> vector<128x16384xf32>
    %add3A = vector.broadcast %broadcast_in_dim3A_17 : vector<128x1xf32> to vector<128x16384xf32>
    %add3A_25 = vector.broadcast %get3A_23 : vector<1x16384xf32> to vector<128x16384xf32>
    %add3A_26 = arith.addf %add3A, %add3A_25 : vector<128x16384xf32>
    %mul3A_27 = arith.constant 2.000000e+00 : f32
    %mul3A_28 = vector.broadcast %mul3A_27 : f32 to vector<128x16384xf32>
    %mul3A_29 = arith.mulf %mul3A_28, %dot_general3A_24 : vector<128x16384xf32>
    %sub3A_30 = arith.subf %add3A_26, %mul3A_29 : vector<128x16384xf32>
    %neg3A = arith.constant 0.000000e+00 : f32
    %neg3A_31 = vector.broadcast %neg3A : f32 to vector<128x16384xf32>
    %neg3A_32 = arith.subf %neg3A_31, %sub3A_30 : vector<128x16384xf32>
    %iota3A_33 = tpu.iota {dimensions = array<i32: 1>} : vector<128x128xi32>
    %iota3A_34 = tpu.iota {dimensions = array<i32: 1>} : vector<128x4096xi32>
    %slice3A = vector.extract_strided_slice %neg3A_32 {offsets = [0, 0], sizes = [128, 4096], strides = [1, 1]} : vector<128x16384xf32> to vector<128x4096xf32>
    %slice3A_35 = vector.extract_strided_slice %neg3A_32 {offsets = [0, 4096], sizes = [128, 4096], strides = [1, 1]} : vector<128x16384xf32> to vector<128x4096xf32>
    %slice3A_36 = vector.extract_strided_slice %neg3A_32 {offsets = [0, 8192], sizes = [128, 4096], strides = [1, 1]} : vector<128x16384xf32> to vector<128x4096xf32>
    %slice3A_37 = vector.extract_strided_slice %neg3A_32 {offsets = [0, 12288], sizes = [128, 4096], strides = [1, 1]} : vector<128x16384xf32> to vector<128x4096xf32>
    %add3A_38 = arith.constant 4096 : i32
    %add3A_39 = vector.broadcast %add3A_38 : i32 to vector<128x4096xi32>
    %add3A_40 = arith.addi %iota3A_34, %add3A_39 : vector<128x4096xi32>
    %add3A_41 = arith.constant 8192 : i32
    %add3A_42 = vector.broadcast %add3A_41 : i32 to vector<128x4096xi32>
    %add3A_43 = arith.addi %iota3A_34, %add3A_42 : vector<128x4096xi32>
    %add3A_44 = arith.constant 12288 : i32
    %add3A_45 = vector.broadcast %add3A_44 : i32 to vector<128x4096xi32>
    %add3A_46 = arith.addi %iota3A_34, %add3A_45 : vector<128x4096xi32>
    %ge3A = arith.cmpf oge, %slice3A, %slice3A_36 : vector<128x4096xf32>
    %select_n3A_47 = arith.select %ge3A, %slice3A, %slice3A_36 : vector<128x4096xi1>, vector<128x4096xf32>
    %select_n3A_48 = arith.select %ge3A, %iota3A_34, %add3A_43 : vector<128x4096xi1>, vector<128x4096xi32>
    %select_n3A_49 = arith.select %ge3A, %slice3A_36, %slice3A : vector<128x4096xi1>, vector<128x4096xf32>
    %select_n3A_50 = arith.select %ge3A, %add3A_43, %iota3A_34 : vector<128x4096xi1>, vector<128x4096xi32>
    %ge3A_51 = arith.cmpf oge, %slice3A_35, %slice3A_37 : vector<128x4096xf32>
    %select_n3A_52 = arith.select %ge3A_51, %slice3A_35, %slice3A_37 : vector<128x4096xi1>, vector<128x4096xf32>
    %select_n3A_53 = arith.select %ge3A_51, %add3A_40, %add3A_46 : vector<128x4096xi1>, vector<128x4096xi32>
    %select_n3A_54 = arith.select %ge3A_51, %slice3A_37, %slice3A_35 : vector<128x4096xi1>, vector<128x4096xf32>
    %select_n3A_55 = arith.select %ge3A_51, %add3A_46, %add3A_40 : vector<128x4096xi1>, vector<128x4096xi32>
    %gt3A = arith.cmpf ogt, %select_n3A_47, %select_n3A_52 : vector<128x4096xf32>
    %eq3A = arith.cmpf oeq, %select_n3A_47, %select_n3A_52 : vector<128x4096xf32>
    %lt3A_56 = arith.cmpi slt, %select_n3A_48, %select_n3A_53 : vector<128x4096xi32>
    %and3A = arith.andi %eq3A, %lt3A_56 : vector<128x4096xi1>
    %or3A = arith.ori %gt3A, %and3A : vector<128x4096xi1>
    %select_n3A_57 = arith.select %or3A, %select_n3A_47, %select_n3A_52 : vector<128x4096xi1>, vector<128x4096xf32>
    %select_n3A_58 = arith.select %or3A, %select_n3A_48, %select_n3A_53 : vector<128x4096xi1>, vector<128x4096xi32>
    %select_n3A_59 = arith.select %or3A, %select_n3A_52, %select_n3A_47 : vector<128x4096xi1>, vector<128x4096xf32>
    %select_n3A_60 = arith.select %or3A, %select_n3A_53, %select_n3A_48 : vector<128x4096xi1>, vector<128x4096xi32>
    %gt3A_61 = arith.cmpf ogt, %select_n3A_49, %select_n3A_54 : vector<128x4096xf32>
    %eq3A_62 = arith.cmpf oeq, %select_n3A_49, %select_n3A_54 : vector<128x4096xf32>
    %lt3A_63 = arith.cmpi slt, %select_n3A_50, %select_n3A_55 : vector<128x4096xi32>
    %and3A_64 = arith.andi %eq3A_62, %lt3A_63 : vector<128x4096xi1>
    %or3A_65 = arith.ori %gt3A_61, %and3A_64 : vector<128x4096xi1>
    %select_n3A_66 = arith.select %or3A_65, %select_n3A_54, %select_n3A_49 : vector<128x4096xi1>, vector<128x4096xf32>
    %select_n3A_67 = arith.select %or3A_65, %select_n3A_55, %select_n3A_50 : vector<128x4096xi1>, vector<128x4096xi32>
    %select_n3A_68 = arith.select %or3A_65, %select_n3A_49, %select_n3A_54 : vector<128x4096xi1>, vector<128x4096xf32>
    %select_n3A_69 = arith.select %or3A_65, %select_n3A_50, %select_n3A_55 : vector<128x4096xi1>, vector<128x4096xi32>
    %gt3A_70 = arith.cmpf ogt, %select_n3A_59, %select_n3A_68 : vector<128x4096xf32>
    %eq3A_71 = arith.cmpf oeq, %select_n3A_59, %select_n3A_68 : vector<128x4096xf32>
    %lt3A_72 = arith.cmpi slt, %select_n3A_60, %select_n3A_69 : vector<128x4096xi32>
    %and3A_73 = arith.andi %eq3A_71, %lt3A_72 : vector<128x4096xi1>
    %or3A_74 = arith.ori %gt3A_70, %and3A_73 : vector<128x4096xi1>
    %select_n3A_75 = arith.select %or3A_74, %select_n3A_59, %select_n3A_68 : vector<128x4096xi1>, vector<128x4096xf32>
    %select_n3A_76 = arith.select %or3A_74, %select_n3A_60, %select_n3A_69 : vector<128x4096xi1>, vector<128x4096xi32>
    %select_n3A_77 = arith.select %or3A_74, %select_n3A_68, %select_n3A_59 : vector<128x4096xi1>, vector<128x4096xf32>
    %select_n3A_78 = arith.select %or3A_74, %select_n3A_69, %select_n3A_60 : vector<128x4096xi1>, vector<128x4096xi32>
    %broadcast_in_dim3A_79 = arith.constant 0 : i32
    %broadcast_in_dim3A_80 = vector.broadcast %broadcast_in_dim3A_79 : i32 to vector<128x128xi32>
    %broadcast_in_dim3A_81 = arith.constant 0.000000e+00 : f32
    %broadcast_in_dim3A_82 = vector.broadcast %broadcast_in_dim3A_81 : f32 to vector<128x128xf32>
    %broadcast_in_dim3A_83 = arith.constant 0.000000e+00 : f32
    %broadcast_in_dim3A_84 = vector.broadcast %broadcast_in_dim3A_83 : f32 to vector<128x1xf32>
    %reduce_max3A = arith.constant dense<0xFF800000> : vector<128xf32>
    %reduce_max3A_85 = vector.multi_reduction <maximumf>, %select_n3A_57, %reduce_max3A [1] : vector<128x4096xf32> to vector<128xf32>
    %broadcast_in_dim3A_86 = vector.shape_cast %reduce_max3A_85 : vector<128xf32> to vector<128x1xf32>
    %eq3A_87 = vector.broadcast %broadcast_in_dim3A_86 : vector<128x1xf32> to vector<128x4096xf32>
    %eq3A_88 = arith.cmpf oeq, %select_n3A_57, %eq3A_87 : vector<128x4096xf32>
    %jit3A_89 = arith.constant 16384 : i32
    %broadcast_in_dim3A_90 = vector.broadcast %jit3A_89 : i32 to vector<128x4096xi32>
    %select_n3A_91 = arith.select %eq3A_88, %select_n3A_58, %broadcast_in_dim3A_90 : vector<128x4096xi1>, vector<128x4096xi32>
    %reduce_min3A = arith.constant dense<2147483647> : vector<128xi32>
    %reduce_min3A_92 = vector.multi_reduction <minsi>, %select_n3A_91, %reduce_min3A [1] : vector<128x4096xi32> to vector<128xi32>
    %broadcast_in_dim3A_93 = vector.shape_cast %reduce_min3A_92 : vector<128xi32> to vector<128x1xi32>
    %broadcast_in_dim3A_94 = arith.constant 1.000000e+00 : f32
    %broadcast_in_dim3A_95 = vector.broadcast %broadcast_in_dim3A_94 : f32 to vector<128x1xf32>
    %eq3A_96 = arith.constant 0 : i32
    %eq3A_97 = vector.broadcast %eq3A_96 : i32 to vector<128x128xi32>
    %eq3A_98 = arith.cmpi eq, %iota3A_33, %eq3A_97 : vector<128x128xi32>
    %broadcast_in_dim3A_99 = vector.shape_cast %broadcast_in_dim3A_93 : vector<128x1xi32> to vector<128x1xi32>
    %broadcast_in_dim3A_100 = vector.broadcast %broadcast_in_dim3A_99 : vector<128x1xi32> to vector<128x128xi32>
    %select_n3A_101 = arith.select %eq3A_98, %broadcast_in_dim3A_100, %broadcast_in_dim3A_80 : vector<128x128xi1>, vector<128x128xi32>
    %eq3A_102 = arith.constant 0 : i32
    %eq3A_103 = vector.broadcast %eq3A_102 : i32 to vector<128x128xi32>
    %eq3A_104 = arith.cmpi eq, %iota3A_33, %eq3A_103 : vector<128x128xi32>
    %broadcast_in_dim3A_105 = vector.shape_cast %broadcast_in_dim3A_95 : vector<128x1xf32> to vector<128x1xf32>
    %broadcast_in_dim3A_106 = vector.broadcast %broadcast_in_dim3A_105 : vector<128x1xf32> to vector<128x128xf32>
    %select_n3A_107 = arith.select %eq3A_104, %broadcast_in_dim3A_106, %broadcast_in_dim3A_82 : vector<128x128xi1>, vector<128x128xf32>
    %add3A_108 = arith.addf %broadcast_in_dim3A_84, %broadcast_in_dim3A_95 : vector<128x1xf32>
    %eq3A_109 = vector.broadcast %broadcast_in_dim3A_93 : vector<128x1xi32> to vector<128x4096xi32>
    %eq3A_110 = arith.cmpi eq, %select_n3A_58, %eq3A_109 : vector<128x4096xi32>
    %select_n3A_111 = arith.select %eq3A_110, %select_n3A_75, %select_n3A_57 : vector<128x4096xi1>, vector<128x4096xf32>
    %select_n3A_112 = arith.select %eq3A_110, %select_n3A_76, %select_n3A_58 : vector<128x4096xi1>, vector<128x4096xi32>
    %select_n3A_113 = arith.select %eq3A_110, %select_n3A_77, %select_n3A_75 : vector<128x4096xi1>, vector<128x4096xf32>
    %select_n3A_114 = arith.select %eq3A_110, %select_n3A_78, %select_n3A_76 : vector<128x4096xi1>, vector<128x4096xi32>
    %select_n3A_115 = arith.select %eq3A_110, %select_n3A_66, %select_n3A_77 : vector<128x4096xi1>, vector<128x4096xf32>
    %select_n3A_116 = arith.select %eq3A_110, %select_n3A_67, %select_n3A_78 : vector<128x4096xi1>, vector<128x4096xi32>
    %jit3A_117 = arith.constant 0xFF800000 : f32
    %broadcast_in_dim3A_118 = vector.broadcast %jit3A_117 : f32 to vector<128x4096xf32>
    %select_n3A_119 = arith.select %eq3A_110, %broadcast_in_dim3A_118, %select_n3A_66 : vector<128x4096xi1>, vector<128x4096xf32>
    %reduce_max3A_120 = arith.constant dense<0xFF800000> : vector<128xf32>
    %reduce_max3A_121 = vector.multi_reduction <maximumf>, %select_n3A_111, %reduce_max3A_120 [1] : vector<128x4096xf32> to vector<128xf32>
    %broadcast_in_dim3A_122 = vector.shape_cast %reduce_max3A_121 : vector<128xf32> to vector<128x1xf32>
    %eq3A_123 = vector.broadcast %broadcast_in_dim3A_122 : vector<128x1xf32> to vector<128x4096xf32>
    %eq3A_124 = arith.cmpf oeq, %select_n3A_111, %eq3A_123 : vector<128x4096xf32>
    %jit3A_125 = arith.constant 16384 : i32
    %broadcast_in_dim3A_126 = vector.broadcast %jit3A_125 : i32 to vector<128x4096xi32>
    %select_n3A_127 = arith.select %eq3A_124, %select_n3A_112, %broadcast_in_dim3A_126 : vector<128x4096xi1>, vector<128x4096xi32>
    %reduce_min3A_128 = arith.constant dense<2147483647> : vector<128xi32>
    %reduce_min3A_129 = vector.multi_reduction <minsi>, %select_n3A_127, %reduce_min3A_128 [1] : vector<128x4096xi32> to vector<128xi32>
    %broadcast_in_dim3A_130 = vector.shape_cast %reduce_min3A_129 : vector<128xi32> to vector<128x1xi32>
    %sub3A_131 = arith.subf %broadcast_in_dim3A_122, %broadcast_in_dim3A_86 : vector<128x1xf32>
    %exp3A = math.exp %sub3A_131 : vector<128x1xf32>
    %eq3A_132 = arith.constant 1 : i32
    %eq3A_133 = vector.broadcast %eq3A_132 : i32 to vector<128x128xi32>
    %eq3A_134 = arith.cmpi eq, %iota3A_33, %eq3A_133 : vector<128x128xi32>
    %broadcast_in_dim3A_135 = vector.shape_cast %broadcast_in_dim3A_130 : vector<128x1xi32> to vector<128x1xi32>
    %broadcast_in_dim3A_136 = vector.broadcast %broadcast_in_dim3A_135 : vector<128x1xi32> to vector<128x128xi32>
    %select_n3A_137 = arith.select %eq3A_134, %broadcast_in_dim3A_136, %select_n3A_101 : vector<128x128xi1>, vector<128x128xi32>
    %eq3A_138 = arith.constant 1 : i32
    %eq3A_139 = vector.broadcast %eq3A_138 : i32 to vector<128x128xi32>
    %eq3A_140 = arith.cmpi eq, %iota3A_33, %eq3A_139 : vector<128x128xi32>
    %broadcast_in_dim3A_141 = vector.shape_cast %exp3A : vector<128x1xf32> to vector<128x1xf32>
    %broadcast_in_dim3A_142 = vector.broadcast %broadcast_in_dim3A_141 : vector<128x1xf32> to vector<128x128xf32>
    %select_n3A_143 = arith.select %eq3A_140, %broadcast_in_dim3A_142, %select_n3A_107 : vector<128x128xi1>, vector<128x128xf32>
    %add3A_144 = arith.addf %add3A_108, %exp3A : vector<128x1xf32>
    %eq3A_145 = vector.broadcast %broadcast_in_dim3A_130 : vector<128x1xi32> to vector<128x4096xi32>
    %eq3A_146 = arith.cmpi eq, %select_n3A_112, %eq3A_145 : vector<128x4096xi32>
    %select_n3A_147 = arith.select %eq3A_146, %select_n3A_113, %select_n3A_111 : vector<128x4096xi1>, vector<128x4096xf32>
    %select_n3A_148 = arith.select %eq3A_146, %select_n3A_114, %select_n3A_112 : vector<128x4096xi1>, vector<128x4096xi32>
    %select_n3A_149 = arith.select %eq3A_146, %select_n3A_115, %select_n3A_113 : vector<128x4096xi1>, vector<128x4096xf32>
    %select_n3A_150 = arith.select %eq3A_146, %select_n3A_116, %select_n3A_114 : vector<128x4096xi1>, vector<128x4096xi32>
    %select_n3A_151 = arith.select %eq3A_146, %select_n3A_119, %select_n3A_115 : vector<128x4096xi1>, vector<128x4096xf32>
    %select_n3A_152 = arith.select %eq3A_146, %select_n3A_67, %select_n3A_116 : vector<128x4096xi1>, vector<128x4096xi32>
    %jit3A_153 = arith.constant 0xFF800000 : f32
    %broadcast_in_dim3A_154 = vector.broadcast %jit3A_153 : f32 to vector<128x4096xf32>
    %select_n3A_155 = arith.select %eq3A_146, %broadcast_in_dim3A_154, %select_n3A_119 : vector<128x4096xi1>, vector<128x4096xf32>
    %reduce_max3A_156 = arith.constant dense<0xFF800000> : vector<128xf32>
    %reduce_max3A_157 = vector.multi_reduction <maximumf>, %select_n3A_147, %reduce_max3A_156 [1] : vector<128x4096xf32> to vector<128xf32>
    %broadcast_in_dim3A_158 = vector.shape_cast %reduce_max3A_157 : vector<128xf32> to vector<128x1xf32>
    %eq3A_159 = vector.broadcast %broadcast_in_dim3A_158 : vector<128x1xf32> to vector<128x4096xf32>
    %eq3A_160 = arith.cmpf oeq, %select_n3A_147, %eq3A_159 : vector<128x4096xf32>
    %jit3A_161 = arith.constant 16384 : i32
    %broadcast_in_dim3A_162 = vector.broadcast %jit3A_161 : i32 to vector<128x4096xi32>
    %select_n3A_163 = arith.select %eq3A_160, %select_n3A_148, %broadcast_in_dim3A_162 : vector<128x4096xi1>, vector<128x4096xi32>
    %reduce_min3A_164 = arith.constant dense<2147483647> : vector<128xi32>
    %reduce_min3A_165 = vector.multi_reduction <minsi>, %select_n3A_163, %reduce_min3A_164 [1] : vector<128x4096xi32> to vector<128xi32>
    %broadcast_in_dim3A_166 = vector.shape_cast %reduce_min3A_165 : vector<128xi32> to vector<128x1xi32>
    %sub3A_167 = arith.subf %broadcast_in_dim3A_158, %broadcast_in_dim3A_86 : vector<128x1xf32>
    %exp3A_168 = math.exp %sub3A_167 : vector<128x1xf32>
    %eq3A_169 = arith.constant 2 : i32
    %eq3A_170 = vector.broadcast %eq3A_169 : i32 to vector<128x128xi32>
    %eq3A_171 = arith.cmpi eq, %iota3A_33, %eq3A_170 : vector<128x128xi32>
    %broadcast_in_dim3A_172 = vector.shape_cast %broadcast_in_dim3A_166 : vector<128x1xi32> to vector<128x1xi32>
    %broadcast_in_dim3A_173 = vector.broadcast %broadcast_in_dim3A_172 : vector<128x1xi32> to vector<128x128xi32>
    %select_n3A_174 = arith.select %eq3A_171, %broadcast_in_dim3A_173, %select_n3A_137 : vector<128x128xi1>, vector<128x128xi32>
    %eq3A_175 = arith.constant 2 : i32
    %eq3A_176 = vector.broadcast %eq3A_175 : i32 to vector<128x128xi32>
    %eq3A_177 = arith.cmpi eq, %iota3A_33, %eq3A_176 : vector<128x128xi32>
    %broadcast_in_dim3A_178 = vector.shape_cast %exp3A_168 : vector<128x1xf32> to vector<128x1xf32>
    %broadcast_in_dim3A_179 = vector.broadcast %broadcast_in_dim3A_178 : vector<128x1xf32> to vector<128x128xf32>
    %select_n3A_180 = arith.select %eq3A_177, %broadcast_in_dim3A_179, %select_n3A_143 : vector<128x128xi1>, vector<128x128xf32>
    %add3A_181 = arith.addf %add3A_144, %exp3A_168 : vector<128x1xf32>
    %eq3A_182 = vector.broadcast %broadcast_in_dim3A_166 : vector<128x1xi32> to vector<128x4096xi32>
    %eq3A_183 = arith.cmpi eq, %select_n3A_148, %eq3A_182 : vector<128x4096xi32>
    %select_n3A_184 = arith.select %eq3A_183, %select_n3A_149, %select_n3A_147 : vector<128x4096xi1>, vector<128x4096xf32>
    %select_n3A_185 = arith.select %eq3A_183, %select_n3A_150, %select_n3A_148 : vector<128x4096xi1>, vector<128x4096xi32>
    %select_n3A_186 = arith.select %eq3A_183, %select_n3A_151, %select_n3A_149 : vector<128x4096xi1>, vector<128x4096xf32>
    %select_n3A_187 = arith.select %eq3A_183, %select_n3A_152, %select_n3A_150 : vector<128x4096xi1>, vector<128x4096xi32>
    %select_n3A_188 = arith.select %eq3A_183, %select_n3A_155, %select_n3A_151 : vector<128x4096xi1>, vector<128x4096xf32>
    %select_n3A_189 = arith.select %eq3A_183, %select_n3A_67, %select_n3A_152 : vector<128x4096xi1>, vector<128x4096xi32>
    %jit3A_190 = arith.constant 0xFF800000 : f32
    %broadcast_in_dim3A_191 = vector.broadcast %jit3A_190 : f32 to vector<128x4096xf32>
    %select_n3A_192 = arith.select %eq3A_183, %broadcast_in_dim3A_191, %select_n3A_155 : vector<128x4096xi1>, vector<128x4096xf32>
    %reduce_max3A_193 = arith.constant dense<0xFF800000> : vector<128xf32>
    %reduce_max3A_194 = vector.multi_reduction <maximumf>, %select_n3A_184, %reduce_max3A_193 [1] : vector<128x4096xf32> to vector<128xf32>
    %broadcast_in_dim3A_195 = vector.shape_cast %reduce_max3A_194 : vector<128xf32> to vector<128x1xf32>
    %eq3A_196 = vector.broadcast %broadcast_in_dim3A_195 : vector<128x1xf32> to vector<128x4096xf32>
    %eq3A_197 = arith.cmpf oeq, %select_n3A_184, %eq3A_196 : vector<128x4096xf32>
    %jit3A_198 = arith.constant 16384 : i32
    %broadcast_in_dim3A_199 = vector.broadcast %jit3A_198 : i32 to vector<128x4096xi32>
    %select_n3A_200 = arith.select %eq3A_197, %select_n3A_185, %broadcast_in_dim3A_199 : vector<128x4096xi1>, vector<128x4096xi32>
    %reduce_min3A_201 = arith.constant dense<2147483647> : vector<128xi32>
    %reduce_min3A_202 = vector.multi_reduction <minsi>, %select_n3A_200, %reduce_min3A_201 [1] : vector<128x4096xi32> to vector<128xi32>
    %broadcast_in_dim3A_203 = vector.shape_cast %reduce_min3A_202 : vector<128xi32> to vector<128x1xi32>
    %sub3A_204 = arith.subf %broadcast_in_dim3A_195, %broadcast_in_dim3A_86 : vector<128x1xf32>
    %exp3A_205 = math.exp %sub3A_204 : vector<128x1xf32>
    %eq3A_206 = arith.constant 3 : i32
    %eq3A_207 = vector.broadcast %eq3A_206 : i32 to vector<128x128xi32>
    %eq3A_208 = arith.cmpi eq, %iota3A_33, %eq3A_207 : vector<128x128xi32>
    %broadcast_in_dim3A_209 = vector.shape_cast %broadcast_in_dim3A_203 : vector<128x1xi32> to vector<128x1xi32>
    %broadcast_in_dim3A_210 = vector.broadcast %broadcast_in_dim3A_209 : vector<128x1xi32> to vector<128x128xi32>
    %select_n3A_211 = arith.select %eq3A_208, %broadcast_in_dim3A_210, %select_n3A_174 : vector<128x128xi1>, vector<128x128xi32>
    %eq3A_212 = arith.constant 3 : i32
    %eq3A_213 = vector.broadcast %eq3A_212 : i32 to vector<128x128xi32>
    %eq3A_214 = arith.cmpi eq, %iota3A_33, %eq3A_213 : vector<128x128xi32>
    %broadcast_in_dim3A_215 = vector.shape_cast %exp3A_205 : vector<128x1xf32> to vector<128x1xf32>
    %broadcast_in_dim3A_216 = vector.broadcast %broadcast_in_dim3A_215 : vector<128x1xf32> to vector<128x128xf32>
    %select_n3A_217 = arith.select %eq3A_214, %broadcast_in_dim3A_216, %select_n3A_180 : vector<128x128xi1>, vector<128x128xf32>
    %add3A_218 = arith.addf %add3A_181, %exp3A_205 : vector<128x1xf32>
    %eq3A_219 = vector.broadcast %broadcast_in_dim3A_203 : vector<128x1xi32> to vector<128x4096xi32>
    %eq3A_220 = arith.cmpi eq, %select_n3A_185, %eq3A_219 : vector<128x4096xi32>
    %select_n3A_221 = arith.select %eq3A_220, %select_n3A_186, %select_n3A_184 : vector<128x4096xi1>, vector<128x4096xf32>
    %select_n3A_222 = arith.select %eq3A_220, %select_n3A_187, %select_n3A_185 : vector<128x4096xi1>, vector<128x4096xi32>
    %select_n3A_223 = arith.select %eq3A_220, %select_n3A_188, %select_n3A_186 : vector<128x4096xi1>, vector<128x4096xf32>
    %select_n3A_224 = arith.select %eq3A_220, %select_n3A_189, %select_n3A_187 : vector<128x4096xi1>, vector<128x4096xi32>
    %select_n3A_225 = arith.select %eq3A_220, %select_n3A_192, %select_n3A_188 : vector<128x4096xi1>, vector<128x4096xf32>
    %select_n3A_226 = arith.select %eq3A_220, %select_n3A_67, %select_n3A_189 : vector<128x4096xi1>, vector<128x4096xi32>
    %jit3A_227 = arith.constant 0xFF800000 : f32
    %broadcast_in_dim3A_228 = vector.broadcast %jit3A_227 : f32 to vector<128x4096xf32>
    %select_n3A_229 = arith.select %eq3A_220, %broadcast_in_dim3A_228, %select_n3A_192 : vector<128x4096xi1>, vector<128x4096xf32>
    %reduce_max3A_230 = arith.constant dense<0xFF800000> : vector<128xf32>
    %reduce_max3A_231 = vector.multi_reduction <maximumf>, %select_n3A_221, %reduce_max3A_230 [1] : vector<128x4096xf32> to vector<128xf32>
    %broadcast_in_dim3A_232 = vector.shape_cast %reduce_max3A_231 : vector<128xf32> to vector<128x1xf32>
    %eq3A_233 = vector.broadcast %broadcast_in_dim3A_232 : vector<128x1xf32> to vector<128x4096xf32>
    %eq3A_234 = arith.cmpf oeq, %select_n3A_221, %eq3A_233 : vector<128x4096xf32>
    %jit3A_235 = arith.constant 16384 : i32
    %broadcast_in_dim3A_236 = vector.broadcast %jit3A_235 : i32 to vector<128x4096xi32>
    %select_n3A_237 = arith.select %eq3A_234, %select_n3A_222, %broadcast_in_dim3A_236 : vector<128x4096xi1>, vector<128x4096xi32>
    %reduce_min3A_238 = arith.constant dense<2147483647> : vector<128xi32>
    %reduce_min3A_239 = vector.multi_reduction <minsi>, %select_n3A_237, %reduce_min3A_238 [1] : vector<128x4096xi32> to vector<128xi32>
    %broadcast_in_dim3A_240 = vector.shape_cast %reduce_min3A_239 : vector<128xi32> to vector<128x1xi32>
    %sub3A_241 = arith.subf %broadcast_in_dim3A_232, %broadcast_in_dim3A_86 : vector<128x1xf32>
    %exp3A_242 = math.exp %sub3A_241 : vector<128x1xf32>
    %eq3A_243 = arith.constant 4 : i32
    %eq3A_244 = vector.broadcast %eq3A_243 : i32 to vector<128x128xi32>
    %eq3A_245 = arith.cmpi eq, %iota3A_33, %eq3A_244 : vector<128x128xi32>
    %broadcast_in_dim3A_246 = vector.shape_cast %broadcast_in_dim3A_240 : vector<128x1xi32> to vector<128x1xi32>
    %broadcast_in_dim3A_247 = vector.broadcast %broadcast_in_dim3A_246 : vector<128x1xi32> to vector<128x128xi32>
    %select_n3A_248 = arith.select %eq3A_245, %broadcast_in_dim3A_247, %select_n3A_211 : vector<128x128xi1>, vector<128x128xi32>
    %eq3A_249 = arith.constant 4 : i32
    %eq3A_250 = vector.broadcast %eq3A_249 : i32 to vector<128x128xi32>
    %eq3A_251 = arith.cmpi eq, %iota3A_33, %eq3A_250 : vector<128x128xi32>
    %broadcast_in_dim3A_252 = vector.shape_cast %exp3A_242 : vector<128x1xf32> to vector<128x1xf32>
    %broadcast_in_dim3A_253 = vector.broadcast %broadcast_in_dim3A_252 : vector<128x1xf32> to vector<128x128xf32>
    %select_n3A_254 = arith.select %eq3A_251, %broadcast_in_dim3A_253, %select_n3A_217 : vector<128x128xi1>, vector<128x128xf32>
    %add3A_255 = arith.addf %add3A_218, %exp3A_242 : vector<128x1xf32>
    %eq3A_256 = vector.broadcast %broadcast_in_dim3A_240 : vector<128x1xi32> to vector<128x4096xi32>
    %eq3A_257 = arith.cmpi eq, %select_n3A_222, %eq3A_256 : vector<128x4096xi32>
    %select_n3A_258 = arith.select %eq3A_257, %select_n3A_223, %select_n3A_221 : vector<128x4096xi1>, vector<128x4096xf32>
    %select_n3A_259 = arith.select %eq3A_257, %select_n3A_224, %select_n3A_222 : vector<128x4096xi1>, vector<128x4096xi32>
    %select_n3A_260 = arith.select %eq3A_257, %select_n3A_225, %select_n3A_223 : vector<128x4096xi1>, vector<128x4096xf32>
    %select_n3A_261 = arith.select %eq3A_257, %select_n3A_226, %select_n3A_224 : vector<128x4096xi1>, vector<128x4096xi32>
    %select_n3A_262 = arith.select %eq3A_257, %select_n3A_229, %select_n3A_225 : vector<128x4096xi1>, vector<128x4096xf32>
    %select_n3A_263 = arith.select %eq3A_257, %select_n3A_67, %select_n3A_226 : vector<128x4096xi1>, vector<128x4096xi32>
    %jit3A_264 = arith.constant 0xFF800000 : f32
    %broadcast_in_dim3A_265 = vector.broadcast %jit3A_264 : f32 to vector<128x4096xf32>
    %select_n3A_266 = arith.select %eq3A_257, %broadcast_in_dim3A_265, %select_n3A_229 : vector<128x4096xi1>, vector<128x4096xf32>
    %reduce_max3A_267 = arith.constant dense<0xFF800000> : vector<128xf32>
    %reduce_max3A_268 = vector.multi_reduction <maximumf>, %select_n3A_258, %reduce_max3A_267 [1] : vector<128x4096xf32> to vector<128xf32>
    %broadcast_in_dim3A_269 = vector.shape_cast %reduce_max3A_268 : vector<128xf32> to vector<128x1xf32>
    %eq3A_270 = vector.broadcast %broadcast_in_dim3A_269 : vector<128x1xf32> to vector<128x4096xf32>
    %eq3A_271 = arith.cmpf oeq, %select_n3A_258, %eq3A_270 : vector<128x4096xf32>
    %jit3A_272 = arith.constant 16384 : i32
    %broadcast_in_dim3A_273 = vector.broadcast %jit3A_272 : i32 to vector<128x4096xi32>
    %select_n3A_274 = arith.select %eq3A_271, %select_n3A_259, %broadcast_in_dim3A_273 : vector<128x4096xi1>, vector<128x4096xi32>
    %reduce_min3A_275 = arith.constant dense<2147483647> : vector<128xi32>
    %reduce_min3A_276 = vector.multi_reduction <minsi>, %select_n3A_274, %reduce_min3A_275 [1] : vector<128x4096xi32> to vector<128xi32>
    %broadcast_in_dim3A_277 = vector.shape_cast %reduce_min3A_276 : vector<128xi32> to vector<128x1xi32>
    %sub3A_278 = arith.subf %broadcast_in_dim3A_269, %broadcast_in_dim3A_86 : vector<128x1xf32>
    %exp3A_279 = math.exp %sub3A_278 : vector<128x1xf32>
    %eq3A_280 = arith.constant 5 : i32
    %eq3A_281 = vector.broadcast %eq3A_280 : i32 to vector<128x128xi32>
    %eq3A_282 = arith.cmpi eq, %iota3A_33, %eq3A_281 : vector<128x128xi32>
    %broadcast_in_dim3A_283 = vector.shape_cast %broadcast_in_dim3A_277 : vector<128x1xi32> to vector<128x1xi32>
    %broadcast_in_dim3A_284 = vector.broadcast %broadcast_in_dim3A_283 : vector<128x1xi32> to vector<128x128xi32>
    %select_n3A_285 = arith.select %eq3A_282, %broadcast_in_dim3A_284, %select_n3A_248 : vector<128x128xi1>, vector<128x128xi32>
    %eq3A_286 = arith.constant 5 : i32
    %eq3A_287 = vector.broadcast %eq3A_286 : i32 to vector<128x128xi32>
    %eq3A_288 = arith.cmpi eq, %iota3A_33, %eq3A_287 : vector<128x128xi32>
    %broadcast_in_dim3A_289 = vector.shape_cast %exp3A_279 : vector<128x1xf32> to vector<128x1xf32>
    %broadcast_in_dim3A_290 = vector.broadcast %broadcast_in_dim3A_289 : vector<128x1xf32> to vector<128x128xf32>
    %select_n3A_291 = arith.select %eq3A_288, %broadcast_in_dim3A_290, %select_n3A_254 : vector<128x128xi1>, vector<128x128xf32>
    %add3A_292 = arith.addf %add3A_255, %exp3A_279 : vector<128x1xf32>
    %eq3A_293 = vector.broadcast %broadcast_in_dim3A_277 : vector<128x1xi32> to vector<128x4096xi32>
    %eq3A_294 = arith.cmpi eq, %select_n3A_259, %eq3A_293 : vector<128x4096xi32>
    %select_n3A_295 = arith.select %eq3A_294, %select_n3A_260, %select_n3A_258 : vector<128x4096xi1>, vector<128x4096xf32>
    %select_n3A_296 = arith.select %eq3A_294, %select_n3A_261, %select_n3A_259 : vector<128x4096xi1>, vector<128x4096xi32>
    %select_n3A_297 = arith.select %eq3A_294, %select_n3A_262, %select_n3A_260 : vector<128x4096xi1>, vector<128x4096xf32>
    %select_n3A_298 = arith.select %eq3A_294, %select_n3A_263, %select_n3A_261 : vector<128x4096xi1>, vector<128x4096xi32>
    %select_n3A_299 = arith.select %eq3A_294, %select_n3A_266, %select_n3A_262 : vector<128x4096xi1>, vector<128x4096xf32>
    %select_n3A_300 = arith.select %eq3A_294, %select_n3A_67, %select_n3A_263 : vector<128x4096xi1>, vector<128x4096xi32>
    %jit3A_301 = arith.constant 0xFF800000 : f32
    %broadcast_in_dim3A_302 = vector.broadcast %jit3A_301 : f32 to vector<128x4096xf32>
    %select_n3A_303 = arith.select %eq3A_294, %broadcast_in_dim3A_302, %select_n3A_266 : vector<128x4096xi1>, vector<128x4096xf32>
    %reduce_max3A_304 = arith.constant dense<0xFF800000> : vector<128xf32>
    %reduce_max3A_305 = vector.multi_reduction <maximumf>, %select_n3A_295, %reduce_max3A_304 [1] : vector<128x4096xf32> to vector<128xf32>
    %broadcast_in_dim3A_306 = vector.shape_cast %reduce_max3A_305 : vector<128xf32> to vector<128x1xf32>
    %eq3A_307 = vector.broadcast %broadcast_in_dim3A_306 : vector<128x1xf32> to vector<128x4096xf32>
    %eq3A_308 = arith.cmpf oeq, %select_n3A_295, %eq3A_307 : vector<128x4096xf32>
    %jit3A_309 = arith.constant 16384 : i32
    %broadcast_in_dim3A_310 = vector.broadcast %jit3A_309 : i32 to vector<128x4096xi32>
    %select_n3A_311 = arith.select %eq3A_308, %select_n3A_296, %broadcast_in_dim3A_310 : vector<128x4096xi1>, vector<128x4096xi32>
    %reduce_min3A_312 = arith.constant dense<2147483647> : vector<128xi32>
    %reduce_min3A_313 = vector.multi_reduction <minsi>, %select_n3A_311, %reduce_min3A_312 [1] : vector<128x4096xi32> to vector<128xi32>
    %broadcast_in_dim3A_314 = vector.shape_cast %reduce_min3A_313 : vector<128xi32> to vector<128x1xi32>
    %sub3A_315 = arith.subf %broadcast_in_dim3A_306, %broadcast_in_dim3A_86 : vector<128x1xf32>
    %exp3A_316 = math.exp %sub3A_315 : vector<128x1xf32>
    %eq3A_317 = arith.constant 6 : i32
    %eq3A_318 = vector.broadcast %eq3A_317 : i32 to vector<128x128xi32>
    %eq3A_319 = arith.cmpi eq, %iota3A_33, %eq3A_318 : vector<128x128xi32>
    %broadcast_in_dim3A_320 = vector.shape_cast %broadcast_in_dim3A_314 : vector<128x1xi32> to vector<128x1xi32>
    %broadcast_in_dim3A_321 = vector.broadcast %broadcast_in_dim3A_320 : vector<128x1xi32> to vector<128x128xi32>
    %select_n3A_322 = arith.select %eq3A_319, %broadcast_in_dim3A_321, %select_n3A_285 : vector<128x128xi1>, vector<128x128xi32>
    %eq3A_323 = arith.constant 6 : i32
    %eq3A_324 = vector.broadcast %eq3A_323 : i32 to vector<128x128xi32>
    %eq3A_325 = arith.cmpi eq, %iota3A_33, %eq3A_324 : vector<128x128xi32>
    %broadcast_in_dim3A_326 = vector.shape_cast %exp3A_316 : vector<128x1xf32> to vector<128x1xf32>
    %broadcast_in_dim3A_327 = vector.broadcast %broadcast_in_dim3A_326 : vector<128x1xf32> to vector<128x128xf32>
    %select_n3A_328 = arith.select %eq3A_325, %broadcast_in_dim3A_327, %select_n3A_291 : vector<128x128xi1>, vector<128x128xf32>
    %add3A_329 = arith.addf %add3A_292, %exp3A_316 : vector<128x1xf32>
    %eq3A_330 = vector.broadcast %broadcast_in_dim3A_314 : vector<128x1xi32> to vector<128x4096xi32>
    %eq3A_331 = arith.cmpi eq, %select_n3A_296, %eq3A_330 : vector<128x4096xi32>
    %select_n3A_332 = arith.select %eq3A_331, %select_n3A_297, %select_n3A_295 : vector<128x4096xi1>, vector<128x4096xf32>
    %select_n3A_333 = arith.select %eq3A_331, %select_n3A_298, %select_n3A_296 : vector<128x4096xi1>, vector<128x4096xi32>
    %select_n3A_334 = arith.select %eq3A_331, %select_n3A_299, %select_n3A_297 : vector<128x4096xi1>, vector<128x4096xf32>
    %select_n3A_335 = arith.select %eq3A_331, %select_n3A_300, %select_n3A_298 : vector<128x4096xi1>, vector<128x4096xi32>
    %select_n3A_336 = arith.select %eq3A_331, %select_n3A_303, %select_n3A_299 : vector<128x4096xi1>, vector<128x4096xf32>
    %select_n3A_337 = arith.select %eq3A_331, %select_n3A_67, %select_n3A_300 : vector<128x4096xi1>, vector<128x4096xi32>
    %jit3A_338 = arith.constant 0xFF800000 : f32
    %broadcast_in_dim3A_339 = vector.broadcast %jit3A_338 : f32 to vector<128x4096xf32>
    %select_n3A_340 = arith.select %eq3A_331, %broadcast_in_dim3A_339, %select_n3A_303 : vector<128x4096xi1>, vector<128x4096xf32>
    %reduce_max3A_341 = arith.constant dense<0xFF800000> : vector<128xf32>
    %reduce_max3A_342 = vector.multi_reduction <maximumf>, %select_n3A_332, %reduce_max3A_341 [1] : vector<128x4096xf32> to vector<128xf32>
    %broadcast_in_dim3A_343 = vector.shape_cast %reduce_max3A_342 : vector<128xf32> to vector<128x1xf32>
    %eq3A_344 = vector.broadcast %broadcast_in_dim3A_343 : vector<128x1xf32> to vector<128x4096xf32>
    %eq3A_345 = arith.cmpf oeq, %select_n3A_332, %eq3A_344 : vector<128x4096xf32>
    %jit3A_346 = arith.constant 16384 : i32
    %broadcast_in_dim3A_347 = vector.broadcast %jit3A_346 : i32 to vector<128x4096xi32>
    %select_n3A_348 = arith.select %eq3A_345, %select_n3A_333, %broadcast_in_dim3A_347 : vector<128x4096xi1>, vector<128x4096xi32>
    %reduce_min3A_349 = arith.constant dense<2147483647> : vector<128xi32>
    %reduce_min3A_350 = vector.multi_reduction <minsi>, %select_n3A_348, %reduce_min3A_349 [1] : vector<128x4096xi32> to vector<128xi32>
    %broadcast_in_dim3A_351 = vector.shape_cast %reduce_min3A_350 : vector<128xi32> to vector<128x1xi32>
    %sub3A_352 = arith.subf %broadcast_in_dim3A_343, %broadcast_in_dim3A_86 : vector<128x1xf32>
    %exp3A_353 = math.exp %sub3A_352 : vector<128x1xf32>
    %eq3A_354 = arith.constant 7 : i32
    %eq3A_355 = vector.broadcast %eq3A_354 : i32 to vector<128x128xi32>
    %eq3A_356 = arith.cmpi eq, %iota3A_33, %eq3A_355 : vector<128x128xi32>
    %broadcast_in_dim3A_357 = vector.shape_cast %broadcast_in_dim3A_351 : vector<128x1xi32> to vector<128x1xi32>
    %broadcast_in_dim3A_358 = vector.broadcast %broadcast_in_dim3A_357 : vector<128x1xi32> to vector<128x128xi32>
    %select_n3A_359 = arith.select %eq3A_356, %broadcast_in_dim3A_358, %select_n3A_322 : vector<128x128xi1>, vector<128x128xi32>
    %eq3A_360 = arith.constant 7 : i32
    %eq3A_361 = vector.broadcast %eq3A_360 : i32 to vector<128x128xi32>
    %eq3A_362 = arith.cmpi eq, %iota3A_33, %eq3A_361 : vector<128x128xi32>
    %broadcast_in_dim3A_363 = vector.shape_cast %exp3A_353 : vector<128x1xf32> to vector<128x1xf32>
    %broadcast_in_dim3A_364 = vector.broadcast %broadcast_in_dim3A_363 : vector<128x1xf32> to vector<128x128xf32>
    %select_n3A_365 = arith.select %eq3A_362, %broadcast_in_dim3A_364, %select_n3A_328 : vector<128x128xi1>, vector<128x128xf32>
    %add3A_366 = arith.addf %add3A_329, %exp3A_353 : vector<128x1xf32>
    %eq3A_367 = vector.broadcast %broadcast_in_dim3A_351 : vector<128x1xi32> to vector<128x4096xi32>
    %eq3A_368 = arith.cmpi eq, %select_n3A_333, %eq3A_367 : vector<128x4096xi32>
    %select_n3A_369 = arith.select %eq3A_368, %select_n3A_334, %select_n3A_332 : vector<128x4096xi1>, vector<128x4096xf32>
    %select_n3A_370 = arith.select %eq3A_368, %select_n3A_335, %select_n3A_333 : vector<128x4096xi1>, vector<128x4096xi32>
    %select_n3A_371 = arith.select %eq3A_368, %select_n3A_336, %select_n3A_334 : vector<128x4096xi1>, vector<128x4096xf32>
    %select_n3A_372 = arith.select %eq3A_368, %select_n3A_337, %select_n3A_335 : vector<128x4096xi1>, vector<128x4096xi32>
    %select_n3A_373 = arith.select %eq3A_368, %select_n3A_340, %select_n3A_336 : vector<128x4096xi1>, vector<128x4096xf32>
    %select_n3A_374 = arith.select %eq3A_368, %select_n3A_67, %select_n3A_337 : vector<128x4096xi1>, vector<128x4096xi32>
    %jit3A_375 = arith.constant 0xFF800000 : f32
    %broadcast_in_dim3A_376 = vector.broadcast %jit3A_375 : f32 to vector<128x4096xf32>
    %select_n3A_377 = arith.select %eq3A_368, %broadcast_in_dim3A_376, %select_n3A_340 : vector<128x4096xi1>, vector<128x4096xf32>
    %reduce_max3A_378 = arith.constant dense<0xFF800000> : vector<128xf32>
    %reduce_max3A_379 = vector.multi_reduction <maximumf>, %select_n3A_369, %reduce_max3A_378 [1] : vector<128x4096xf32> to vector<128xf32>
    %broadcast_in_dim3A_380 = vector.shape_cast %reduce_max3A_379 : vector<128xf32> to vector<128x1xf32>
    %eq3A_381 = vector.broadcast %broadcast_in_dim3A_380 : vector<128x1xf32> to vector<128x4096xf32>
    %eq3A_382 = arith.cmpf oeq, %select_n3A_369, %eq3A_381 : vector<128x4096xf32>
    %jit3A_383 = arith.constant 16384 : i32
    %broadcast_in_dim3A_384 = vector.broadcast %jit3A_383 : i32 to vector<128x4096xi32>
    %select_n3A_385 = arith.select %eq3A_382, %select_n3A_370, %broadcast_in_dim3A_384 : vector<128x4096xi1>, vector<128x4096xi32>
    %reduce_min3A_386 = arith.constant dense<2147483647> : vector<128xi32>
    %reduce_min3A_387 = vector.multi_reduction <minsi>, %select_n3A_385, %reduce_min3A_386 [1] : vector<128x4096xi32> to vector<128xi32>
    %broadcast_in_dim3A_388 = vector.shape_cast %reduce_min3A_387 : vector<128xi32> to vector<128x1xi32>
    %sub3A_389 = arith.subf %broadcast_in_dim3A_380, %broadcast_in_dim3A_86 : vector<128x1xf32>
    %exp3A_390 = math.exp %sub3A_389 : vector<128x1xf32>
    %eq3A_391 = arith.constant 8 : i32
    %eq3A_392 = vector.broadcast %eq3A_391 : i32 to vector<128x128xi32>
    %eq3A_393 = arith.cmpi eq, %iota3A_33, %eq3A_392 : vector<128x128xi32>
    %broadcast_in_dim3A_394 = vector.shape_cast %broadcast_in_dim3A_388 : vector<128x1xi32> to vector<128x1xi32>
    %broadcast_in_dim3A_395 = vector.broadcast %broadcast_in_dim3A_394 : vector<128x1xi32> to vector<128x128xi32>
    %select_n3A_396 = arith.select %eq3A_393, %broadcast_in_dim3A_395, %select_n3A_359 : vector<128x128xi1>, vector<128x128xi32>
    %eq3A_397 = arith.constant 8 : i32
    %eq3A_398 = vector.broadcast %eq3A_397 : i32 to vector<128x128xi32>
    %eq3A_399 = arith.cmpi eq, %iota3A_33, %eq3A_398 : vector<128x128xi32>
    %broadcast_in_dim3A_400 = vector.shape_cast %exp3A_390 : vector<128x1xf32> to vector<128x1xf32>
    %broadcast_in_dim3A_401 = vector.broadcast %broadcast_in_dim3A_400 : vector<128x1xf32> to vector<128x128xf32>
    %select_n3A_402 = arith.select %eq3A_399, %broadcast_in_dim3A_401, %select_n3A_365 : vector<128x128xi1>, vector<128x128xf32>
    %add3A_403 = arith.addf %add3A_366, %exp3A_390 : vector<128x1xf32>
    %eq3A_404 = vector.broadcast %broadcast_in_dim3A_388 : vector<128x1xi32> to vector<128x4096xi32>
    %eq3A_405 = arith.cmpi eq, %select_n3A_370, %eq3A_404 : vector<128x4096xi32>
    %select_n3A_406 = arith.select %eq3A_405, %select_n3A_371, %select_n3A_369 : vector<128x4096xi1>, vector<128x4096xf32>
    %select_n3A_407 = arith.select %eq3A_405, %select_n3A_372, %select_n3A_370 : vector<128x4096xi1>, vector<128x4096xi32>
    %select_n3A_408 = arith.select %eq3A_405, %select_n3A_373, %select_n3A_371 : vector<128x4096xi1>, vector<128x4096xf32>
    %select_n3A_409 = arith.select %eq3A_405, %select_n3A_374, %select_n3A_372 : vector<128x4096xi1>, vector<128x4096xi32>
    %select_n3A_410 = arith.select %eq3A_405, %select_n3A_377, %select_n3A_373 : vector<128x4096xi1>, vector<128x4096xf32>
    %select_n3A_411 = arith.select %eq3A_405, %select_n3A_67, %select_n3A_374 : vector<128x4096xi1>, vector<128x4096xi32>
    %jit3A_412 = arith.constant 0xFF800000 : f32
    %broadcast_in_dim3A_413 = vector.broadcast %jit3A_412 : f32 to vector<128x4096xf32>
    %select_n3A_414 = arith.select %eq3A_405, %broadcast_in_dim3A_413, %select_n3A_377 : vector<128x4096xi1>, vector<128x4096xf32>
    %reduce_max3A_415 = arith.constant dense<0xFF800000> : vector<128xf32>
    %reduce_max3A_416 = vector.multi_reduction <maximumf>, %select_n3A_406, %reduce_max3A_415 [1] : vector<128x4096xf32> to vector<128xf32>
    %broadcast_in_dim3A_417 = vector.shape_cast %reduce_max3A_416 : vector<128xf32> to vector<128x1xf32>
    %eq3A_418 = vector.broadcast %broadcast_in_dim3A_417 : vector<128x1xf32> to vector<128x4096xf32>
    %eq3A_419 = arith.cmpf oeq, %select_n3A_406, %eq3A_418 : vector<128x4096xf32>
    %jit3A_420 = arith.constant 16384 : i32
    %broadcast_in_dim3A_421 = vector.broadcast %jit3A_420 : i32 to vector<128x4096xi32>
    %select_n3A_422 = arith.select %eq3A_419, %select_n3A_407, %broadcast_in_dim3A_421 : vector<128x4096xi1>, vector<128x4096xi32>
    %reduce_min3A_423 = arith.constant dense<2147483647> : vector<128xi32>
    %reduce_min3A_424 = vector.multi_reduction <minsi>, %select_n3A_422, %reduce_min3A_423 [1] : vector<128x4096xi32> to vector<128xi32>
    %broadcast_in_dim3A_425 = vector.shape_cast %reduce_min3A_424 : vector<128xi32> to vector<128x1xi32>
    %sub3A_426 = arith.subf %broadcast_in_dim3A_417, %broadcast_in_dim3A_86 : vector<128x1xf32>
    %exp3A_427 = math.exp %sub3A_426 : vector<128x1xf32>
    %eq3A_428 = arith.constant 9 : i32
    %eq3A_429 = vector.broadcast %eq3A_428 : i32 to vector<128x128xi32>
    %eq3A_430 = arith.cmpi eq, %iota3A_33, %eq3A_429 : vector<128x128xi32>
    %broadcast_in_dim3A_431 = vector.shape_cast %broadcast_in_dim3A_425 : vector<128x1xi32> to vector<128x1xi32>
    %broadcast_in_dim3A_432 = vector.broadcast %broadcast_in_dim3A_431 : vector<128x1xi32> to vector<128x128xi32>
    %select_n3A_433 = arith.select %eq3A_430, %broadcast_in_dim3A_432, %select_n3A_396 : vector<128x128xi1>, vector<128x128xi32>
    %eq3A_434 = arith.constant 9 : i32
    %eq3A_435 = vector.broadcast %eq3A_434 : i32 to vector<128x128xi32>
    %eq3A_436 = arith.cmpi eq, %iota3A_33, %eq3A_435 : vector<128x128xi32>
    %broadcast_in_dim3A_437 = vector.shape_cast %exp3A_427 : vector<128x1xf32> to vector<128x1xf32>
    %broadcast_in_dim3A_438 = vector.broadcast %broadcast_in_dim3A_437 : vector<128x1xf32> to vector<128x128xf32>
    %select_n3A_439 = arith.select %eq3A_436, %broadcast_in_dim3A_438, %select_n3A_402 : vector<128x128xi1>, vector<128x128xf32>
    %add3A_440 = arith.addf %add3A_403, %exp3A_427 : vector<128x1xf32>
    %eq3A_441 = vector.broadcast %broadcast_in_dim3A_425 : vector<128x1xi32> to vector<128x4096xi32>
    %eq3A_442 = arith.cmpi eq, %select_n3A_407, %eq3A_441 : vector<128x4096xi32>
    %select_n3A_443 = arith.select %eq3A_442, %select_n3A_408, %select_n3A_406 : vector<128x4096xi1>, vector<128x4096xf32>
    %select_n3A_444 = arith.select %eq3A_442, %select_n3A_409, %select_n3A_407 : vector<128x4096xi1>, vector<128x4096xi32>
    %select_n3A_445 = arith.select %eq3A_442, %select_n3A_410, %select_n3A_408 : vector<128x4096xi1>, vector<128x4096xf32>
    %select_n3A_446 = arith.select %eq3A_442, %select_n3A_411, %select_n3A_409 : vector<128x4096xi1>, vector<128x4096xi32>
    %select_n3A_447 = arith.select %eq3A_442, %select_n3A_414, %select_n3A_410 : vector<128x4096xi1>, vector<128x4096xf32>
    %select_n3A_448 = arith.select %eq3A_442, %select_n3A_67, %select_n3A_411 : vector<128x4096xi1>, vector<128x4096xi32>
    %jit3A_449 = arith.constant 0xFF800000 : f32
    %broadcast_in_dim3A_450 = vector.broadcast %jit3A_449 : f32 to vector<128x4096xf32>
    %select_n3A_451 = arith.select %eq3A_442, %broadcast_in_dim3A_450, %select_n3A_414 : vector<128x4096xi1>, vector<128x4096xf32>
    %reduce_max3A_452 = arith.constant dense<0xFF800000> : vector<128xf32>
    %reduce_max3A_453 = vector.multi_reduction <maximumf>, %select_n3A_443, %reduce_max3A_452 [1] : vector<128x4096xf32> to vector<128xf32>
    %broadcast_in_dim3A_454 = vector.shape_cast %reduce_max3A_453 : vector<128xf32> to vector<128x1xf32>
    %eq3A_455 = vector.broadcast %broadcast_in_dim3A_454 : vector<128x1xf32> to vector<128x4096xf32>
    %eq3A_456 = arith.cmpf oeq, %select_n3A_443, %eq3A_455 : vector<128x4096xf32>
    %jit3A_457 = arith.constant 16384 : i32
    %broadcast_in_dim3A_458 = vector.broadcast %jit3A_457 : i32 to vector<128x4096xi32>
    %select_n3A_459 = arith.select %eq3A_456, %select_n3A_444, %broadcast_in_dim3A_458 : vector<128x4096xi1>, vector<128x4096xi32>
    %reduce_min3A_460 = arith.constant dense<2147483647> : vector<128xi32>
    %reduce_min3A_461 = vector.multi_reduction <minsi>, %select_n3A_459, %reduce_min3A_460 [1] : vector<128x4096xi32> to vector<128xi32>
    %broadcast_in_dim3A_462 = vector.shape_cast %reduce_min3A_461 : vector<128xi32> to vector<128x1xi32>
    %sub3A_463 = arith.subf %broadcast_in_dim3A_454, %broadcast_in_dim3A_86 : vector<128x1xf32>
    %exp3A_464 = math.exp %sub3A_463 : vector<128x1xf32>
    %eq3A_465 = arith.constant 10 : i32
    %eq3A_466 = vector.broadcast %eq3A_465 : i32 to vector<128x128xi32>
    %eq3A_467 = arith.cmpi eq, %iota3A_33, %eq3A_466 : vector<128x128xi32>
    %broadcast_in_dim3A_468 = vector.shape_cast %broadcast_in_dim3A_462 : vector<128x1xi32> to vector<128x1xi32>
    %broadcast_in_dim3A_469 = vector.broadcast %broadcast_in_dim3A_468 : vector<128x1xi32> to vector<128x128xi32>
    %select_n3A_470 = arith.select %eq3A_467, %broadcast_in_dim3A_469, %select_n3A_433 : vector<128x128xi1>, vector<128x128xi32>
    %eq3A_471 = arith.constant 10 : i32
    %eq3A_472 = vector.broadcast %eq3A_471 : i32 to vector<128x128xi32>
    %eq3A_473 = arith.cmpi eq, %iota3A_33, %eq3A_472 : vector<128x128xi32>
    %broadcast_in_dim3A_474 = vector.shape_cast %exp3A_464 : vector<128x1xf32> to vector<128x1xf32>
    %broadcast_in_dim3A_475 = vector.broadcast %broadcast_in_dim3A_474 : vector<128x1xf32> to vector<128x128xf32>
    %select_n3A_476 = arith.select %eq3A_473, %broadcast_in_dim3A_475, %select_n3A_439 : vector<128x128xi1>, vector<128x128xf32>
    %add3A_477 = arith.addf %add3A_440, %exp3A_464 : vector<128x1xf32>
    %eq3A_478 = vector.broadcast %broadcast_in_dim3A_462 : vector<128x1xi32> to vector<128x4096xi32>
    %eq3A_479 = arith.cmpi eq, %select_n3A_444, %eq3A_478 : vector<128x4096xi32>
    %select_n3A_480 = arith.select %eq3A_479, %select_n3A_445, %select_n3A_443 : vector<128x4096xi1>, vector<128x4096xf32>
    %select_n3A_481 = arith.select %eq3A_479, %select_n3A_446, %select_n3A_444 : vector<128x4096xi1>, vector<128x4096xi32>
    %select_n3A_482 = arith.select %eq3A_479, %select_n3A_447, %select_n3A_445 : vector<128x4096xi1>, vector<128x4096xf32>
    %select_n3A_483 = arith.select %eq3A_479, %select_n3A_448, %select_n3A_446 : vector<128x4096xi1>, vector<128x4096xi32>
    %select_n3A_484 = arith.select %eq3A_479, %select_n3A_451, %select_n3A_447 : vector<128x4096xi1>, vector<128x4096xf32>
    %select_n3A_485 = arith.select %eq3A_479, %select_n3A_67, %select_n3A_448 : vector<128x4096xi1>, vector<128x4096xi32>
    %reduce_max3A_486 = arith.constant dense<0xFF800000> : vector<128xf32>
    %reduce_max3A_487 = vector.multi_reduction <maximumf>, %select_n3A_480, %reduce_max3A_486 [1] : vector<128x4096xf32> to vector<128xf32>
    %broadcast_in_dim3A_488 = vector.shape_cast %reduce_max3A_487 : vector<128xf32> to vector<128x1xf32>
    %eq3A_489 = vector.broadcast %broadcast_in_dim3A_488 : vector<128x1xf32> to vector<128x4096xf32>
    %eq3A_490 = arith.cmpf oeq, %select_n3A_480, %eq3A_489 : vector<128x4096xf32>
    %jit3A_491 = arith.constant 16384 : i32
    %broadcast_in_dim3A_492 = vector.broadcast %jit3A_491 : i32 to vector<128x4096xi32>
    %select_n3A_493 = arith.select %eq3A_490, %select_n3A_481, %broadcast_in_dim3A_492 : vector<128x4096xi1>, vector<128x4096xi32>
    %reduce_min3A_494 = arith.constant dense<2147483647> : vector<128xi32>
    %reduce_min3A_495 = vector.multi_reduction <minsi>, %select_n3A_493, %reduce_min3A_494 [1] : vector<128x4096xi32> to vector<128xi32>
    %broadcast_in_dim3A_496 = vector.shape_cast %reduce_min3A_495 : vector<128xi32> to vector<128x1xi32>
    %sub3A_497 = arith.subf %broadcast_in_dim3A_488, %broadcast_in_dim3A_86 : vector<128x1xf32>
    %exp3A_498 = math.exp %sub3A_497 : vector<128x1xf32>
    %eq3A_499 = arith.constant 11 : i32
    %eq3A_500 = vector.broadcast %eq3A_499 : i32 to vector<128x128xi32>
    %eq3A_501 = arith.cmpi eq, %iota3A_33, %eq3A_500 : vector<128x128xi32>
    %broadcast_in_dim3A_502 = vector.shape_cast %broadcast_in_dim3A_496 : vector<128x1xi32> to vector<128x1xi32>
    %broadcast_in_dim3A_503 = vector.broadcast %broadcast_in_dim3A_502 : vector<128x1xi32> to vector<128x128xi32>
    %select_n3A_504 = arith.select %eq3A_501, %broadcast_in_dim3A_503, %select_n3A_470 : vector<128x128xi1>, vector<128x128xi32>
    %eq3A_505 = arith.constant 11 : i32
    %eq3A_506 = vector.broadcast %eq3A_505 : i32 to vector<128x128xi32>
    %eq3A_507 = arith.cmpi eq, %iota3A_33, %eq3A_506 : vector<128x128xi32>
    %broadcast_in_dim3A_508 = vector.shape_cast %exp3A_498 : vector<128x1xf32> to vector<128x1xf32>
    %broadcast_in_dim3A_509 = vector.broadcast %broadcast_in_dim3A_508 : vector<128x1xf32> to vector<128x128xf32>
    %select_n3A_510 = arith.select %eq3A_507, %broadcast_in_dim3A_509, %select_n3A_476 : vector<128x128xi1>, vector<128x128xf32>
    %add3A_511 = arith.addf %add3A_477, %exp3A_498 : vector<128x1xf32>
    %eq3A_512 = vector.broadcast %broadcast_in_dim3A_496 : vector<128x1xi32> to vector<128x4096xi32>
    %eq3A_513 = arith.cmpi eq, %select_n3A_481, %eq3A_512 : vector<128x4096xi32>
    %select_n3A_514 = arith.select %eq3A_513, %select_n3A_482, %select_n3A_480 : vector<128x4096xi1>, vector<128x4096xf32>
    %select_n3A_515 = arith.select %eq3A_513, %select_n3A_483, %select_n3A_481 : vector<128x4096xi1>, vector<128x4096xi32>
    %select_n3A_516 = arith.select %eq3A_513, %select_n3A_484, %select_n3A_482 : vector<128x4096xi1>, vector<128x4096xf32>
    %select_n3A_517 = arith.select %eq3A_513, %select_n3A_485, %select_n3A_483 : vector<128x4096xi1>, vector<128x4096xi32>
    %reduce_max3A_518 = arith.constant dense<0xFF800000> : vector<128xf32>
    %reduce_max3A_519 = vector.multi_reduction <maximumf>, %select_n3A_514, %reduce_max3A_518 [1] : vector<128x4096xf32> to vector<128xf32>
    %broadcast_in_dim3A_520 = vector.shape_cast %reduce_max3A_519 : vector<128xf32> to vector<128x1xf32>
    %eq3A_521 = vector.broadcast %broadcast_in_dim3A_520 : vector<128x1xf32> to vector<128x4096xf32>
    %eq3A_522 = arith.cmpf oeq, %select_n3A_514, %eq3A_521 : vector<128x4096xf32>
    %jit3A_523 = arith.constant 16384 : i32
    %broadcast_in_dim3A_524 = vector.broadcast %jit3A_523 : i32 to vector<128x4096xi32>
    %select_n3A_525 = arith.select %eq3A_522, %select_n3A_515, %broadcast_in_dim3A_524 : vector<128x4096xi1>, vector<128x4096xi32>
    %reduce_min3A_526 = arith.constant dense<2147483647> : vector<128xi32>
    %reduce_min3A_527 = vector.multi_reduction <minsi>, %select_n3A_525, %reduce_min3A_526 [1] : vector<128x4096xi32> to vector<128xi32>
    %broadcast_in_dim3A_528 = vector.shape_cast %reduce_min3A_527 : vector<128xi32> to vector<128x1xi32>
    %sub3A_529 = arith.subf %broadcast_in_dim3A_520, %broadcast_in_dim3A_86 : vector<128x1xf32>
    %exp3A_530 = math.exp %sub3A_529 : vector<128x1xf32>
    %eq3A_531 = arith.constant 12 : i32
    %eq3A_532 = vector.broadcast %eq3A_531 : i32 to vector<128x128xi32>
    %eq3A_533 = arith.cmpi eq, %iota3A_33, %eq3A_532 : vector<128x128xi32>
    %broadcast_in_dim3A_534 = vector.shape_cast %broadcast_in_dim3A_528 : vector<128x1xi32> to vector<128x1xi32>
    %broadcast_in_dim3A_535 = vector.broadcast %broadcast_in_dim3A_534 : vector<128x1xi32> to vector<128x128xi32>
    %select_n3A_536 = arith.select %eq3A_533, %broadcast_in_dim3A_535, %select_n3A_504 : vector<128x128xi1>, vector<128x128xi32>
    %eq3A_537 = arith.constant 12 : i32
    %eq3A_538 = vector.broadcast %eq3A_537 : i32 to vector<128x128xi32>
    %eq3A_539 = arith.cmpi eq, %iota3A_33, %eq3A_538 : vector<128x128xi32>
    %broadcast_in_dim3A_540 = vector.shape_cast %exp3A_530 : vector<128x1xf32> to vector<128x1xf32>
    %broadcast_in_dim3A_541 = vector.broadcast %broadcast_in_dim3A_540 : vector<128x1xf32> to vector<128x128xf32>
    %select_n3A_542 = arith.select %eq3A_539, %broadcast_in_dim3A_541, %select_n3A_510 : vector<128x128xi1>, vector<128x128xf32>
    %add3A_543 = arith.addf %add3A_511, %exp3A_530 : vector<128x1xf32>
    %eq3A_544 = vector.broadcast %broadcast_in_dim3A_528 : vector<128x1xi32> to vector<128x4096xi32>
    %eq3A_545 = arith.cmpi eq, %select_n3A_515, %eq3A_544 : vector<128x4096xi32>
    %select_n3A_546 = arith.select %eq3A_545, %select_n3A_516, %select_n3A_514 : vector<128x4096xi1>, vector<128x4096xf32>
    %select_n3A_547 = arith.select %eq3A_545, %select_n3A_517, %select_n3A_515 : vector<128x4096xi1>, vector<128x4096xi32>
    %reduce_max3A_548 = arith.constant dense<0xFF800000> : vector<128xf32>
    %reduce_max3A_549 = vector.multi_reduction <maximumf>, %select_n3A_546, %reduce_max3A_548 [1] : vector<128x4096xf32> to vector<128xf32>
    %broadcast_in_dim3A_550 = vector.shape_cast %reduce_max3A_549 : vector<128xf32> to vector<128x1xf32>
    %eq3A_551 = vector.broadcast %broadcast_in_dim3A_550 : vector<128x1xf32> to vector<128x4096xf32>
    %eq3A_552 = arith.cmpf oeq, %select_n3A_546, %eq3A_551 : vector<128x4096xf32>
    %jit3A_553 = arith.constant 16384 : i32
    %broadcast_in_dim3A_554 = vector.broadcast %jit3A_553 : i32 to vector<128x4096xi32>
    %select_n3A_555 = arith.select %eq3A_552, %select_n3A_547, %broadcast_in_dim3A_554 : vector<128x4096xi1>, vector<128x4096xi32>
    %reduce_min3A_556 = arith.constant dense<2147483647> : vector<128xi32>
    %reduce_min3A_557 = vector.multi_reduction <minsi>, %select_n3A_555, %reduce_min3A_556 [1] : vector<128x4096xi32> to vector<128xi32>
    %broadcast_in_dim3A_558 = vector.shape_cast %reduce_min3A_557 : vector<128xi32> to vector<128x1xi32>
    %sub3A_559 = arith.subf %broadcast_in_dim3A_550, %broadcast_in_dim3A_86 : vector<128x1xf32>
    %exp3A_560 = math.exp %sub3A_559 : vector<128x1xf32>
    %eq3A_561 = arith.constant 13 : i32
    %eq3A_562 = vector.broadcast %eq3A_561 : i32 to vector<128x128xi32>
    %eq3A_563 = arith.cmpi eq, %iota3A_33, %eq3A_562 : vector<128x128xi32>
    %broadcast_in_dim3A_564 = vector.shape_cast %broadcast_in_dim3A_558 : vector<128x1xi32> to vector<128x1xi32>
    %broadcast_in_dim3A_565 = vector.broadcast %broadcast_in_dim3A_564 : vector<128x1xi32> to vector<128x128xi32>
    %select_n3A_566 = arith.select %eq3A_563, %broadcast_in_dim3A_565, %select_n3A_536 : vector<128x128xi1>, vector<128x128xi32>
    %eq3A_567 = arith.constant 13 : i32
    %eq3A_568 = vector.broadcast %eq3A_567 : i32 to vector<128x128xi32>
    %eq3A_569 = arith.cmpi eq, %iota3A_33, %eq3A_568 : vector<128x128xi32>
    %broadcast_in_dim3A_570 = vector.shape_cast %exp3A_560 : vector<128x1xf32> to vector<128x1xf32>
    %broadcast_in_dim3A_571 = vector.broadcast %broadcast_in_dim3A_570 : vector<128x1xf32> to vector<128x128xf32>
    %select_n3A_572 = arith.select %eq3A_569, %broadcast_in_dim3A_571, %select_n3A_542 : vector<128x128xi1>, vector<128x128xf32>
    %add3A_573 = arith.addf %add3A_543, %exp3A_560 : vector<128x1xf32>
    %swap3A = arith.constant 0 : index
    %swap3A_574 = arith.constant 0 : index
    %swap3A_575 = vector.load %arg4[%swap3A, %swap3A_574] : memref<128x128xi32, #tpu.memory_space<vmem>>, vector<128x128xi32>
    tpu.vector_store %arg4[%swap3A, %swap3A_574], %select_n3A_566 {strides = array<i32>} : memref<128x128xi32, #tpu.memory_space<vmem>>, vector<128x128xi32>,
    %div3A_576 = vector.broadcast %add3A_573 : vector<128x1xf32> to vector<128x128xf32>
    %div3A_577 = arith.divf %select_n3A_572, %div3A_576 : vector<128x128xf32>
    %swap3A_578 = arith.constant 0 : index
    %swap3A_579 = arith.constant 0 : index
    %swap3A_580 = vector.load %arg5[%swap3A_578, %swap3A_579] : memref<128x128xf32, #tpu.memory_space<vmem>>, vector<128x128xf32>
    tpu.vector_store %arg5[%swap3A_578, %swap3A_579], %div3A_577 {strides = array<i32>} : memref<128x128xf32, #tpu.memory_space<vmem>>, vector<128x128xf32>,
    return
  }
  func.func @transform_0(%arg0: i32) -> (i32, i32) {
    %c0_i32 = arith.constant 0 : i32
    %c0_i32_0 = arith.constant 0 : i32
    return %arg0, %c0_i32 : i32, i32
  }
  func.func @transform_1(%arg0: i32) -> (i32, i32) {
    %c0_i32 = arith.constant 0 : i32
    %c0_i32_0 = arith.constant 0 : i32
    %c0_i32_1 = arith.constant 0 : i32
    return %c0_i32, %c0_i32_0 : i32, i32
  }
  func.func @transform_2(%arg0: i32) -> (i32, i32) {
    %c0_i32 = arith.constant 0 : i32
    %c0_i32_0 = arith.constant 0 : i32
    %c0_i32_1 = arith.constant 0 : i32
    return %c0_i32, %c0_i32_0 : i32, i32
  }
  func.func @transform_3(%arg0: i32) -> (i32, i32) {
    %c0_i32 = arith.constant 0 : i32
    %c0_i32_0 = arith.constant 0 : i32
    return %arg0, %c0_i32 : i32, i32
  }
  func.func @transform_4(%arg0: i32) -> (i32, i32) {
    %c0_i32 = arith.constant 0 : i32
    %c0_i32_0 = arith.constant 0 : i32
    return %arg0, %c0_i32 : i32, i32
  }
}

module attributes {stable_mosaic.version = 14 : i64} {
  func.func @_reduce_body(%arg0: i32, %arg1: memref<14x128x128xf32, #tpu.memory_space<vmem>>, %arg2: memref<128x128xf32, #tpu.memory_space<vmem>>, %arg3: memref<128x128xf32, #tpu.memory_space<vmem>>) attributes {dimension_semantics = [#tpu.dimension_semantics<arbitrary>], iteration_bounds = array<i64: 32>, scalar_prefetch = 0 : i64, scratch_operands = 0 : i64, tpu.core_type = #tpu.core_type<tc>, window_params = [{transform_indices = @transform_0, window_bounds = array<i64: 14, 128, 128>}, {transform_indices = @transform_1, window_bounds = array<i64: 128, 128>}, {transform_indices = @transform_2, window_bounds = array<i64: 128, 128>}]} {
    %get3A = arith.constant 0 : index
    %get3A_0 = arith.constant 0 : index
    %get3A_1 = arith.constant 0 : index
    %get3A_2 = vector.load %arg1[%get3A, %get3A_0, %get3A_1] : memref<14x128x128xf32, #tpu.memory_space<vmem>>, vector<1x128x128xf32>
    %get3A_3 = vector.shape_cast %get3A_2 : vector<1x128x128xf32> to vector<128x128xf32>
    %get3A_4 = arith.constant 0 : index
    %get3A_5 = arith.constant 0 : index
    %get3A_6 = vector.load %arg2[%get3A_4, %get3A_5] : memref<128x128xf32, #tpu.memory_space<vmem>>, vector<128x1xf32>
    %mul3A = vector.broadcast %get3A_6 : vector<128x1xf32> to vector<128x128xf32>
    %mul3A_7 = arith.mulf %get3A_3, %mul3A : vector<128x128xf32>
    %get3A_8 = arith.constant 1 : index
    %get3A_9 = arith.constant 0 : index
    %get3A_10 = arith.constant 0 : index
    %get3A_11 = vector.load %arg1[%get3A_8, %get3A_9, %get3A_10] : memref<14x128x128xf32, #tpu.memory_space<vmem>>, vector<1x128x128xf32>
    %get3A_12 = vector.shape_cast %get3A_11 : vector<1x128x128xf32> to vector<128x128xf32>
    %get3A_13 = arith.constant 0 : index
    %get3A_14 = arith.constant 1 : index
    %get3A_15 = vector.load %arg2[%get3A_13, %get3A_14] : memref<128x128xf32, #tpu.memory_space<vmem>>, vector<128x1xf32>
    %mul3A_16 = vector.broadcast %get3A_15 : vector<128x1xf32> to vector<128x128xf32>
    %mul3A_17 = arith.mulf %get3A_12, %mul3A_16 : vector<128x128xf32>
    %add3A = arith.addf %mul3A_7, %mul3A_17 : vector<128x128xf32>
    %get3A_18 = arith.constant 2 : index
    %get3A_19 = arith.constant 0 : index
    %get3A_20 = arith.constant 0 : index
    %get3A_21 = vector.load %arg1[%get3A_18, %get3A_19, %get3A_20] : memref<14x128x128xf32, #tpu.memory_space<vmem>>, vector<1x128x128xf32>
    %get3A_22 = vector.shape_cast %get3A_21 : vector<1x128x128xf32> to vector<128x128xf32>
    %get3A_23 = arith.constant 0 : index
    %get3A_24 = arith.constant 2 : index
    %get3A_25 = vector.load %arg2[%get3A_23, %get3A_24] : memref<128x128xf32, #tpu.memory_space<vmem>>, vector<128x1xf32>
    %mul3A_26 = vector.broadcast %get3A_25 : vector<128x1xf32> to vector<128x128xf32>
    %mul3A_27 = arith.mulf %get3A_22, %mul3A_26 : vector<128x128xf32>
    %add3A_28 = arith.addf %add3A, %mul3A_27 : vector<128x128xf32>
    %get3A_29 = arith.constant 3 : index
    %get3A_30 = arith.constant 0 : index
    %get3A_31 = arith.constant 0 : index
    %get3A_32 = vector.load %arg1[%get3A_29, %get3A_30, %get3A_31] : memref<14x128x128xf32, #tpu.memory_space<vmem>>, vector<1x128x128xf32>
    %get3A_33 = vector.shape_cast %get3A_32 : vector<1x128x128xf32> to vector<128x128xf32>
    %get3A_34 = arith.constant 0 : index
    %get3A_35 = arith.constant 3 : index
    %get3A_36 = vector.load %arg2[%get3A_34, %get3A_35] : memref<128x128xf32, #tpu.memory_space<vmem>>, vector<128x1xf32>
    %mul3A_37 = vector.broadcast %get3A_36 : vector<128x1xf32> to vector<128x128xf32>
    %mul3A_38 = arith.mulf %get3A_33, %mul3A_37 : vector<128x128xf32>
    %add3A_39 = arith.addf %add3A_28, %mul3A_38 : vector<128x128xf32>
    %get3A_40 = arith.constant 4 : index
    %get3A_41 = arith.constant 0 : index
    %get3A_42 = arith.constant 0 : index
    %get3A_43 = vector.load %arg1[%get3A_40, %get3A_41, %get3A_42] : memref<14x128x128xf32, #tpu.memory_space<vmem>>, vector<1x128x128xf32>
    %get3A_44 = vector.shape_cast %get3A_43 : vector<1x128x128xf32> to vector<128x128xf32>
    %get3A_45 = arith.constant 0 : index
    %get3A_46 = arith.constant 4 : index
    %get3A_47 = vector.load %arg2[%get3A_45, %get3A_46] : memref<128x128xf32, #tpu.memory_space<vmem>>, vector<128x1xf32>
    %mul3A_48 = vector.broadcast %get3A_47 : vector<128x1xf32> to vector<128x128xf32>
    %mul3A_49 = arith.mulf %get3A_44, %mul3A_48 : vector<128x128xf32>
    %add3A_50 = arith.addf %add3A_39, %mul3A_49 : vector<128x128xf32>
    %get3A_51 = arith.constant 5 : index
    %get3A_52 = arith.constant 0 : index
    %get3A_53 = arith.constant 0 : index
    %get3A_54 = vector.load %arg1[%get3A_51, %get3A_52, %get3A_53] : memref<14x128x128xf32, #tpu.memory_space<vmem>>, vector<1x128x128xf32>
    %get3A_55 = vector.shape_cast %get3A_54 : vector<1x128x128xf32> to vector<128x128xf32>
    %get3A_56 = arith.constant 0 : index
    %get3A_57 = arith.constant 5 : index
    %get3A_58 = vector.load %arg2[%get3A_56, %get3A_57] : memref<128x128xf32, #tpu.memory_space<vmem>>, vector<128x1xf32>
    %mul3A_59 = vector.broadcast %get3A_58 : vector<128x1xf32> to vector<128x128xf32>
    %mul3A_60 = arith.mulf %get3A_55, %mul3A_59 : vector<128x128xf32>
    %add3A_61 = arith.addf %add3A_50, %mul3A_60 : vector<128x128xf32>
    %get3A_62 = arith.constant 6 : index
    %get3A_63 = arith.constant 0 : index
    %get3A_64 = arith.constant 0 : index
    %get3A_65 = vector.load %arg1[%get3A_62, %get3A_63, %get3A_64] : memref<14x128x128xf32, #tpu.memory_space<vmem>>, vector<1x128x128xf32>
    %get3A_66 = vector.shape_cast %get3A_65 : vector<1x128x128xf32> to vector<128x128xf32>
    %get3A_67 = arith.constant 0 : index
    %get3A_68 = arith.constant 6 : index
    %get3A_69 = vector.load %arg2[%get3A_67, %get3A_68] : memref<128x128xf32, #tpu.memory_space<vmem>>, vector<128x1xf32>
    %mul3A_70 = vector.broadcast %get3A_69 : vector<128x1xf32> to vector<128x128xf32>
    %mul3A_71 = arith.mulf %get3A_66, %mul3A_70 : vector<128x128xf32>
    %add3A_72 = arith.addf %add3A_61, %mul3A_71 : vector<128x128xf32>
    %get3A_73 = arith.constant 7 : index
    %get3A_74 = arith.constant 0 : index
    %get3A_75 = arith.constant 0 : index
    %get3A_76 = vector.load %arg1[%get3A_73, %get3A_74, %get3A_75] : memref<14x128x128xf32, #tpu.memory_space<vmem>>, vector<1x128x128xf32>
    %get3A_77 = vector.shape_cast %get3A_76 : vector<1x128x128xf32> to vector<128x128xf32>
    %get3A_78 = arith.constant 0 : index
    %get3A_79 = arith.constant 7 : index
    %get3A_80 = vector.load %arg2[%get3A_78, %get3A_79] : memref<128x128xf32, #tpu.memory_space<vmem>>, vector<128x1xf32>
    %mul3A_81 = vector.broadcast %get3A_80 : vector<128x1xf32> to vector<128x128xf32>
    %mul3A_82 = arith.mulf %get3A_77, %mul3A_81 : vector<128x128xf32>
    %add3A_83 = arith.addf %add3A_72, %mul3A_82 : vector<128x128xf32>
    %get3A_84 = arith.constant 8 : index
    %get3A_85 = arith.constant 0 : index
    %get3A_86 = arith.constant 0 : index
    %get3A_87 = vector.load %arg1[%get3A_84, %get3A_85, %get3A_86] : memref<14x128x128xf32, #tpu.memory_space<vmem>>, vector<1x128x128xf32>
    %get3A_88 = vector.shape_cast %get3A_87 : vector<1x128x128xf32> to vector<128x128xf32>
    %get3A_89 = arith.constant 0 : index
    %get3A_90 = arith.constant 8 : index
    %get3A_91 = vector.load %arg2[%get3A_89, %get3A_90] : memref<128x128xf32, #tpu.memory_space<vmem>>, vector<128x1xf32>
    %mul3A_92 = vector.broadcast %get3A_91 : vector<128x1xf32> to vector<128x128xf32>
    %mul3A_93 = arith.mulf %get3A_88, %mul3A_92 : vector<128x128xf32>
    %add3A_94 = arith.addf %add3A_83, %mul3A_93 : vector<128x128xf32>
    %get3A_95 = arith.constant 9 : index
    %get3A_96 = arith.constant 0 : index
    %get3A_97 = arith.constant 0 : index
    %get3A_98 = vector.load %arg1[%get3A_95, %get3A_96, %get3A_97] : memref<14x128x128xf32, #tpu.memory_space<vmem>>, vector<1x128x128xf32>
    %get3A_99 = vector.shape_cast %get3A_98 : vector<1x128x128xf32> to vector<128x128xf32>
    %get3A_100 = arith.constant 0 : index
    %get3A_101 = arith.constant 9 : index
    %get3A_102 = vector.load %arg2[%get3A_100, %get3A_101] : memref<128x128xf32, #tpu.memory_space<vmem>>, vector<128x1xf32>
    %mul3A_103 = vector.broadcast %get3A_102 : vector<128x1xf32> to vector<128x128xf32>
    %mul3A_104 = arith.mulf %get3A_99, %mul3A_103 : vector<128x128xf32>
    %add3A_105 = arith.addf %add3A_94, %mul3A_104 : vector<128x128xf32>
    %get3A_106 = arith.constant 10 : index
    %get3A_107 = arith.constant 0 : index
    %get3A_108 = arith.constant 0 : index
    %get3A_109 = vector.load %arg1[%get3A_106, %get3A_107, %get3A_108] : memref<14x128x128xf32, #tpu.memory_space<vmem>>, vector<1x128x128xf32>
    %get3A_110 = vector.shape_cast %get3A_109 : vector<1x128x128xf32> to vector<128x128xf32>
    %get3A_111 = arith.constant 0 : index
    %get3A_112 = arith.constant 10 : index
    %get3A_113 = vector.load %arg2[%get3A_111, %get3A_112] : memref<128x128xf32, #tpu.memory_space<vmem>>, vector<128x1xf32>
    %mul3A_114 = vector.broadcast %get3A_113 : vector<128x1xf32> to vector<128x128xf32>
    %mul3A_115 = arith.mulf %get3A_110, %mul3A_114 : vector<128x128xf32>
    %add3A_116 = arith.addf %add3A_105, %mul3A_115 : vector<128x128xf32>
    %get3A_117 = arith.constant 11 : index
    %get3A_118 = arith.constant 0 : index
    %get3A_119 = arith.constant 0 : index
    %get3A_120 = vector.load %arg1[%get3A_117, %get3A_118, %get3A_119] : memref<14x128x128xf32, #tpu.memory_space<vmem>>, vector<1x128x128xf32>
    %get3A_121 = vector.shape_cast %get3A_120 : vector<1x128x128xf32> to vector<128x128xf32>
    %get3A_122 = arith.constant 0 : index
    %get3A_123 = arith.constant 11 : index
    %get3A_124 = vector.load %arg2[%get3A_122, %get3A_123] : memref<128x128xf32, #tpu.memory_space<vmem>>, vector<128x1xf32>
    %mul3A_125 = vector.broadcast %get3A_124 : vector<128x1xf32> to vector<128x128xf32>
    %mul3A_126 = arith.mulf %get3A_121, %mul3A_125 : vector<128x128xf32>
    %add3A_127 = arith.addf %add3A_116, %mul3A_126 : vector<128x128xf32>
    %get3A_128 = arith.constant 12 : index
    %get3A_129 = arith.constant 0 : index
    %get3A_130 = arith.constant 0 : index
    %get3A_131 = vector.load %arg1[%get3A_128, %get3A_129, %get3A_130] : memref<14x128x128xf32, #tpu.memory_space<vmem>>, vector<1x128x128xf32>
    %get3A_132 = vector.shape_cast %get3A_131 : vector<1x128x128xf32> to vector<128x128xf32>
    %get3A_133 = arith.constant 0 : index
    %get3A_134 = arith.constant 12 : index
    %get3A_135 = vector.load %arg2[%get3A_133, %get3A_134] : memref<128x128xf32, #tpu.memory_space<vmem>>, vector<128x1xf32>
    %mul3A_136 = vector.broadcast %get3A_135 : vector<128x1xf32> to vector<128x128xf32>
    %mul3A_137 = arith.mulf %get3A_132, %mul3A_136 : vector<128x128xf32>
    %add3A_138 = arith.addf %add3A_127, %mul3A_137 : vector<128x128xf32>
    %get3A_139 = arith.constant 13 : index
    %get3A_140 = arith.constant 0 : index
    %get3A_141 = arith.constant 0 : index
    %get3A_142 = vector.load %arg1[%get3A_139, %get3A_140, %get3A_141] : memref<14x128x128xf32, #tpu.memory_space<vmem>>, vector<1x128x128xf32>
    %get3A_143 = vector.shape_cast %get3A_142 : vector<1x128x128xf32> to vector<128x128xf32>
    %get3A_144 = arith.constant 0 : index
    %get3A_145 = arith.constant 13 : index
    %get3A_146 = vector.load %arg2[%get3A_144, %get3A_145] : memref<128x128xf32, #tpu.memory_space<vmem>>, vector<128x1xf32>
    %mul3A_147 = vector.broadcast %get3A_146 : vector<128x1xf32> to vector<128x128xf32>
    %mul3A_148 = arith.mulf %get3A_143, %mul3A_147 : vector<128x128xf32>
    %add3A_149 = arith.addf %add3A_138, %mul3A_148 : vector<128x128xf32>
    %swap3A = arith.constant 0 : index
    %swap3A_150 = arith.constant 0 : index
    %swap3A_151 = vector.load %arg3[%swap3A, %swap3A_150] : memref<128x128xf32, #tpu.memory_space<vmem>>, vector<128x128xf32>
    tpu.vector_store %arg3[%swap3A, %swap3A_150], %add3A_149 {strides = array<i32>} : memref<128x128xf32, #tpu.memory_space<vmem>>, vector<128x128xf32>,
    return
  }
  func.func @transform_0(%arg0: i32) -> (i32, i32, i32) {
    %c0_i32 = arith.constant 0 : i32
    %c0_i32_0 = arith.constant 0 : i32
    %c0_i32_1 = arith.constant 0 : i32
    return %c0_i32, %arg0, %c0_i32_0 : i32, i32, i32
  }
  func.func @transform_1(%arg0: i32) -> (i32, i32) {
    %c0_i32 = arith.constant 0 : i32
    %c0_i32_0 = arith.constant 0 : i32
    return %arg0, %c0_i32 : i32, i32
  }
  func.func @transform_2(%arg0: i32) -> (i32, i32) {
    %c0_i32 = arith.constant 0 : i32
    %c0_i32_0 = arith.constant 0 : i32
    return %arg0, %c0_i32 : i32, i32
  }
}

</mosaic_0001>

<sc_bundles>
// kernel: kernel.6.cloned.1.call-start
scs
__scs_entry_jumppad:
0x0: {  	(pc) =	sbr.rel $0x88, $3  }
0x1: {  	(tag) =	ssettag $0x0;
	lr =	simm.s32 $0x1  }
0x2: {  	[smem:$0x3F9F] =	sst lr;
	_ =	strace $0xD0000000  }
0x3: {  	_ = 	snop  }
0x4: {  	_ = 	snop  }
0x5: {  	_ = 	snop  }
0x6: {  	_ = 	snop  }
0x7: {  	_ = 	snop  }
__scs_overlays_trampoline_lowered:
0x8: {  	[smem:$0x3FAE] =	sst s0  }
0x9: {  	[smem:$0x3FAF] =	sst s1  }
0xa: {  	[smem:$0x3FB0] =	sst s2  }
0xb: {  	[smem:$0x3FB1] =	sst s3  }
0xc: {  	[smem:$0x3FB2] =	sst s4  }
0xd: {  	[smem:$0x3FB3] =	sst s5  }
0xe: {  	[smem:$0x3FB4] =	sst s6  }
0xf: {  	[smem:$0x3FB5] =	sst s7  }
0x10: {  	[smem:$0x3FB6] =	sst s8  }
0x11: {  	[smem:$0x3FB7] =	sst s9;
	s0 =	simm.s32 @!p0 $0x0  }
0x12: {  	s1 =	sld [smem:$0x3F9D];
	s0 =	simm.s32 @p0 $0x1  }
0x13: {  	[smem:$0x3FB8] =	sst s0;
	s0 =	simm.s32 @!p1 $0x0  }
0x14: {  	s2 =	sld [smem:$0x3F9C];
	s0 =	simm.s32 @p1 $0x1  }
0x15: {  	[smem:$0x3FB9] =	sst s0;
	s0 =	simm.s32 @!p2 $0x0  }
0x16: {  	s3 =	sld [smem:$0x3FDB];
	s0 =	simm.s32 @p2 $0x1  }
0x17: {  	s4 =	simm.s32 $0x1BF5;
	[smem:$0x3FBB] =	sst s0  }
0x18: {  	s0 =	sld [smem:$0x3F9E];
	_ =	swait.ge [sflag:s4], $0x0  }
0x19: {  	s7 =	sld [smem:$0x3F9F]  }
0x1a: {  	s8 =	sadd.s32 $0xFFFFE003, lr  }
0x1b: {  	s9 =	sadd.s32 $0xFFFFFEF7, lr;
	s5 =	simm.s32 $0xFFFFFFFF;
	p2 =	slt.u32 s8, $0xFFFFF086  }
0x1c: {  	p1 =	slt.u32 s9, $0xF7A;
	s5 =	simm.s32 @!p2 $0x0  }
0x1d: {  	s5 =	simm.s32 @p1 $0x1;
	p0 =	seq.s32 s7, s2  }
0x1e: {  	s7 =	smul.u32 @!p0 $0xF7A, s2;
	p2 =	seq.s32 @!p0 s5, $0x0  }
0x1f: {  	s9 =	smul.u32 $0xF7A, s1;
	s8 =	simm.s32 @!p0 $0x1BF5;
	p2 =	por !p2, p0  }
0x20: {  	[sflag:s8] =	ssyncset.s32 @!p0 $0xFFFFF086;
	s6 =	sadd.s32 @!p0 s3, s7;
	s7 =	simm.s32 @!p0 $0x108  }
0x21: {  	s3 =	sadd.s32 s3, s9;
	s6 =	sadd.s32 @!p0 $0x88, s6;
	s7 =	simm.s32 @p2 $0x1082  }
0x22: {  	[simem:s7], [sflag:s8] =	dma.local @!p0 [hbm:s6], $0xF7A  }
0x23: {  	s9 =	sor.u32 $0xD0000000, s2;
	s6 =	simm.s32 $0x108;
	_ =	swait.ge @!p0 [sflag:s8], $0x0  }
0x24: {  	s3 =	sadd.s32 $0x88, s3;
	s6 =	simm.s32 @!p1 $0x1082;
	[sflag:s4] =	ssyncset.s32 $0xFFFFF086  }
0x25: {  	[simem:s6], [sflag:s4] =	dma.local [hbm:s3], $0xF7A  }
0x26: {  	[smem:$0x3F9F] =	sst s1;
	(tag) =	ssettag s2;
	_ =	strace s9  }
0x27: {  	s1 =	sld [smem:$0x3FAF]  }
0x28: {  	s2 =	sld [smem:$0x3FB0]  }
0x29: {  	s4 =	sld [smem:$0x3FB2]  }
0x2a: {  	p0 =	seq.s32 s5, $0x0;
	s5 =	sld [smem:$0x3FB3]  }
0x2b: {  	s6 =	sld [smem:$0x3FB4]  }
0x2c: {  	s7 =	sld [smem:$0x3FB5]  }
0x2d: {  	s3 =	simm.s32 $0x108;
	s8 =	sld [smem:$0x3FB6]  }
0x2e: {  	s3 =	simm.s32 @!p0 $0x1082;
	s9 =	sld [smem:$0x3FB7]  }
0x2f: {  	lr =	sadd.s32 s0, s3;
	s0 =	sld [smem:$0x3FAE]  }
0x30: {  	s3 =	sld [smem:$0x3FB1]  }
0x31: {  	[smem:$0x3FBA] =	sst s10  }
0x32: {  	s10 =	sld [smem:$0x3FB8];
	_ =	sdelay $0x3  }
0x33: {  	p0 =	seq.s32 s10, $0x1;
	s10 =	sld [smem:$0x3FBA];
	_ =	sdelay $0x3  }
0x34: {  	[smem:$0x3FBA] =	sst s10  }
0x35: {  	s10 =	sld [smem:$0x3FB9];
	_ =	sdelay $0x3  }
0x36: {  	p1 =	seq.s32 s10, $0x1;
	s10 =	sld [smem:$0x3FBA];
	_ =	sdelay $0x3  }
0x37: {  	[smem:$0x3FBA] =	sst s10  }
0x38: {  	s10 =	sld [smem:$0x3FBB]  }
0x39: {  	_ = 	snop;
	(pc) =	sbr.ind lr, $3  }
0x3a: {  	_ = 	snop  }
0x3b: {  	_ = 	snop  }
0x3c: {  	p2 =	seq.s32 s10, $0x1;
	s10 =	sld [smem:$0x3FBA]  }
0x3d: {  	_ =	shalt  }
0x3e: {  	_ =	shalt  }
0x3f: {  	_ =	shalt  }
0x40: {  	_ =	shalt  }
0x41: {  	_ =	shalt  }
0x42: {  	_ =	shalt  }
0x43: {  	_ =	shalt  }
0x44: {  	_ =	shalt  }
0x45: {  	_ =	shalt  }
0x46: {  	_ =	shalt  }
0x47: {  	_ =	shalt  }
0x48: {  	_ =	shalt  }
0x49: {  	_ =	shalt  }
0x4a: {  	_ =	shalt  }
0x4b: {  	_ =	shalt  }
0x4c: {  	_ =	shalt  }
0x4d: {  	_ =	shalt  }
0x4e: {  	_ =	shalt  }
0x4f: {  	_ =	shalt  }
0x50: {  	_ =	shalt  }
0x51: {  	_ =	shalt  }
0x52: {  	_ =	shalt  }
0x53: {  	_ =	shalt  }
0x54: {  	_ =	shalt  }
0x55: {  	_ =	shalt  }
0x56: {  	_ =	shalt  }
0x57: {  	_ =	shalt  }
0x58: {  	_ =	shalt  }
0x59: {  	_ =	shalt  }
0x5a: {  	_ =	shalt  }
0x5b: {  	_ =	shalt  }
0x5c: {  	_ =	shalt  }
0x5d: {  	_ =	shalt  }
0x5e: {  	_ =	shalt  }
0x5f: {  	_ =	shalt  }
0x60: {  	_ =	shalt  }
0x61: {  	_ =	shalt  }
0x62: {  	_ =	shalt  }
0x63: {  	_ =	shalt  }
0x64: {  	_ =	shalt  }
0x65: {  	_ =	shalt  }
0x66: {  	_ =	shalt  }
0x67: {  	_ =	shalt  }
0x68: {  	_ =	shalt  }
0x69: {  	_ =	shalt  }
0x6a: {  	_ =	shalt  }
0x6b: {  	_ =	shalt  }
0x6c: {  	_ =	shalt  }
0x6d: {  	_ =	shalt  }
0x6e: {  	_ =	shalt  }
0x6f: {  	_ =	shalt  }
0x70: {  	_ =	shalt  }
0x71: {  	_ =	shalt  }
0x72: {  	_ =	shalt  }
0x73: {  	_ =	shalt  }
0x74: {  	_ =	shalt  }
0x75: {  	_ =	shalt  }
0x76: {  	_ =	shalt  }
0x77: {  	_ =	shalt  }
0x78: {  	_ =	shalt  }
0x79: {  	_ =	shalt  }
0x7a: {  	_ =	shalt  }
0x7b: {  	_ =	shalt  }
0x7c: {  	_ =	shalt  }
0x7d: {  	_ =	shalt  }
0x7e: {  	_ =	shalt  }
0x7f: {  	_ =	shalt  }
0x80: {  	_ =	shalt  }
0x81: {  	_ =	shalt  }
0x82: {  	_ =	shalt  }
0x83: {  	_ =	shalt  }
0x84: {  	_ =	shalt  }
0x85: {  	_ =	shalt  }
0x86: {  	_ =	shalt  }
0x87: {  	_ =	shalt  }
.Lfunc_end0:
.L_simem_size_0:
called_computation_lowered:
.L_overlay_start_0:
0x88: {  	s2 =	sld [smem:$0x3FD9]  }
0x89: {  	s3 =	sld [smem:$0x3FFE];
	_ =	sdelay $0x1  }
0x8a: {  	s1 =	srdreg.scid  }
0x8b: {  	s0 =	sand.u32 $0x1, s1  }
0x8c: {  	s14 =	sshll.u32 s0, $0xA;
	s2 =	sadd.s32 s3, s2  }
0x8d: {  	s2 =	sadd.s32 s2, s14  }
0x8e: {  	[smem:$0x3FC6] =	sst s2  }
0x8f: {  	_ = 	snop  }
0x90: {  	s2 =	sld [smem:$0x3FD0];
	_ =	sdelay $0x2  }
0x91: {  	s15 =	simm.s32 $0xA;
	s4 =	simm.s32 $0x10  }
0x92: {  	[smem:s4], [sflag:s15] =	dma.local [hbm:s2], $0x1  }
0x93: {  	_ =	swait.eq [sflag:s15], $0x1  }
0x94: {  	[sflag:s15] =	ssyncset.done $0x0  }
0x95: {  	[sflag:s15] =	ssyncadd.s32 $0xFFFFFFFF  }
0x96: {  	s16 =	sld [smem:$0x10];
	(tm) =	ssettm $0x1  }
0x97: {  	s17 =	sld [smem:$0x3FFB];
	_ =	sdelay $0x3  }
0x98: {  	_ =	strace s17  }
0x99: {  	s3 =	sld [smem:$0x3FFC];
	_ =	sdelay $0x3  }
0x9a: {  	_ =	strace s3  }
0x9b: {  	s3 =	sld [smem:$0x3FFD];
	_ =	sdelay $0x3  }
0x9c: {  	_ =	strace s3  }
0x9d: {  	_ =	strace $0x8FFFFFFF  }
0x9e: {  	s18 =	sld [smem:$0x3FDB];
	_ =	sdelay $0x1  }
0x9f: {  	s19 =	simm.s32 $_scs_section_size  }
0xa0: {  	s5 =	simm.s32 $_size__tile_overlayer_lowered;
	s6 =	simm.s32 $_tile_overlayer_lowered  }
0xa1: {  	s22 =	simm.s32 $0x1BFF;
	s21 =	sshll.u32 s6, $0x1;
	s3 =	sadd.s32 s19, s18  }
0xa2: {  	s7 =	simm.s32 $0x0;
	s20 =	sshll.u32 s5, $0x1;
	s5 =	sadd.s32 s21, s3  }
0xa3: {  	[timem:s7], [sflag:s22] =	dma.local [hbm:s5], s20  }
0xa4: {  	_ =	swait.ge [sflag:s22], s20  }
0xa5: {  	s4 =	ssub.s32 $0x0, s20;
	[sflag:s22] =	ssyncset.done $0x0  }
0xa6: {  	[sflag:s22] =	ssyncadd.s32 s4;
	_ =	sdelay $0x1  }
0xa7: {  	s23 =	simm.s32 $0x1B8B  }
0xa8: {  	_ =	swait.ge [sflag:s23], $0x1  }
0xa9: {  	[sflag:s23] =	ssyncset.done $0x0  }
0xaa: {  	s25 =	simm.s32 $0x1B8E;
	s24 =	sld [smem:$0x3FFE];
	[sflag:s23] =	ssyncadd.s32 $0xFFFFFFFF  }
0xab: {  	s26 =	simm.s32 $execute0_lowered;
	[smem:$0x3FD2] =	sst s25  }
0xac: {  	s5 =	sshll.u32 s26, $0x1;
	_ =	strace $0x80000046;
	[dreg:$0x1] =	wrdreg $0xFFFFFFFF  }
0xad: {  	s28 =	simm.s32 $_size_execute0_lowered;
	s3 =	sadd.s32 s3, s5;
	[dreg:$0x0] =	wrdreg $0x0  }
0xae: {  	s5 =	sshll.u32 s28, $0x1;
	[dreg:$0x2] =	wrdreg s3  }
0xaf: {  	[dreg:$0x3] =	wrdreg s5  }
0xb0: {  	[dreg:$0x4] =	wrdreg $0xC0  }
0xb1: {  	_ =	task [dreg:s7], $0x5FFFF  }
0xb2: {  	[dreg:$0x1] =	wrdreg $0xFFFFFFFF  }
0xb3: {  	[dreg:$0x0] =	wrdreg $0x60  }
0xb4: {  	[dreg:$0x2] =	wrdreg s24  }
0xb5: {  	[dreg:$0x3] =	wrdreg s16  }
0xb6: {  	[dreg:$0x4] =	wrdreg $0x9  }
0xb7: {  	_ =	task.clear_ibuf [dreg:s7], $0x5FFFF;
	_ =	strace $0x90000046  }
0xb8: {  	s29 =	simm.s32 $0x9;
	_ =	strace $0x8000004F  }
0xb9: {  	_ =	swait.ge [sflag:s29], $0x1  }
0xba: {  	[sflag:s29] =	ssyncadd.s32 $0xFFFFFFFF  }
0xbb: {  	_ =	strace $0x9000004F  }
0xbc: {  	_ =	sfence  }
0xbd: {  	s30 =	sld [smem:$0x0];
	_ =	sdelay $0x2  }
0xbe: {  	s31 =	sshll.u32 s1, $0xD;
	s1 =	sshrl.u32 s1, $0x2  }
0xbf: {  	s3 =	sand.u32 $0x4000, s31;
	s1 =	sadd.s32 s1, s30  }
0xc0: {  	s0 =	sor.u32 s3, s0;
	s1 =	sshll.u32 s1, $0x11  }
0xc1: {  	s0 =	sor.u32 s1, s0  }
0xc2: {  	s0 =	sadd.s32 $0x8F2B, s0  }
0xc3: {  	[sflag:s0] =	ssyncadd.remote.s32 $0x1  }
0xc4: {  	_ =	sfence.sel $0xFFFF  }
0xc5: {  	[dreg:$0x0] =	wrdreg $0xFFFFFFFF;
	(pc) =	sbr.abs _section_cstart, $3  }
0xc6: {  	[dreg:$0x1] =	wrdreg $0xFFFFFFFF  }
0xc7: {  	_ =	task.clear_ibuf [dreg:s7], $0x2FFFF;
	_ =	strace $0x9FFFFFFF  }
0xc8: {  	(tm) =	ssettm $0x7FFFFFFF  }
0xc9: {  	_ =	shalt  }
tec
execute0_lowered:
.L_overlay_start_1:
0x0: {  	(tag) =	ssettag $0x1  }
0x1: {  	s4 =	rddreg [dreg:$0x0]  }
0x2: {  	s1 =	rddreg [dreg:$0x1]  }
0x3: {  	s0 =	rddreg [dreg:$0x2];
	s2 =	simm.s32 $0x0  }
0x4: {  	s3 =	srdreg.scid;
	s31 =	simm.s32 $0x80;
	s9 =	simm.s32 $0x4  }
0x5: {  	s10 =	simm.s32 $0x0;
	[smem:$0x7FF] =	sst s2;
	s5 =	sand.u32 $0x1, s3  }
0x6: {  	s6 =	sadd.s32 $0x1400, s4;
	s3 =	stileid.u32;
	s4 =	sadd.s32 $0x41400, s4  }
0x7: {  	_ =	strace $0x80000047;
	s7 =	sshll.u32 s5, $0x4;
	s5 =	ssub.s32 $0x2, s5  }
0x8: {  	[dreg:$0x3] =	wrdreg s6;
	s29 =	sor.u32 s3, s7;
	s30 =	sshrl.u32 s5, $0x1  }
0x9: {  	[dreg:$0x5] =	wrdreg s4;
	s8 =	smul.u32 $0xE0, s29;
	s7 =	ssub.s32 s5, s30  }
0xa: {  	[dreg:$0x4] =	wrdreg s31;
	s4 =	smul.u32 $0xE, s29;
	s6 =	smax.u32 s7, $0x1  }
0xb: {  	s7 =	simm.s32 $0x1;
	s5 =	sadd.s32 s1, s8;
	s8 =	simm.s32 $0x5  }
.LBB2_1:
0xc: {  	_ =	strace $0x80000048;
	s11 =	simm.s32 $0x1;
	p0 =	por $0x0, $0x0  }
0xd: {  	[tilespmem:s2], [sflag:$0x1] =	stream.linear.gather [hbm4b:s5+s2], $0x80, $0x200038;
	[tilespmem:$0x8100] =	vst v63  }
0xe: {  	s11 =	simm.s32 @p0 $0x0  }
0xf: {  	p4 =	por $0x1, $0x1;
	s20 =	sand.u32 $0x1, s2;
	p1 =	sne.s32 s11, $0x0  }
0x10: {  	p2 =	por $0x1, $0x1;
	s18 =	simm.s32 $0xC;
	p0 =	por !p4, !p1  }
0x11: {  	s16 =	simm.s32 $0x0;
	p5 =	por $0x0, $0x0;
	p0 =	por !p0, !p0  }
0x12: {  	s23 =	sadd.s32 $0x0, s4;
	s30 =	sadd.s32 $0x1, s20;
	s12 =	sadd.s32 @p0 s4, s11  }
0x13: {  	_ =	strace $0x90000048;
	s13 =	sand.u32 @p0 $0x1, s7;
	s12 =	sshll.u32 @p0 s12, $0x4  }
0x14: {  	_ =	strace @p0 $0x80000049;
	s15 =	simm.s32 @p0 $0x0;
	s12 =	sand.u32 @p0 $0x1FFFFFF0, s12  }
0x15: {  	s14 =	sshll.u32 @p0 s13, $0x7;
	s13 =	sadd.s32 @p0 $0x1, s13;
	s12 =	sadd.s32 @p0 s1, s12  }
0x16: {  	[tilespmem:s14], [sflag:s13] =	stream.linear.gather @p0 [hbm4b:s12+s15], $0x80, $0x200038;
	[tilespmem:$0x8100] =	vst v63  }
0x17: {  	p3 =	por p2, p2;
	s21 =	sshll.u32 s20, $0xE;
	_ =	strace @p0 $0x90000049  }
0x18: {  	s16 =	sand.u32 $0x80, s16;
	p2 =	por p5, p5;
	_ =	strace $0x8000004A  }
0x19: {  	s17 =	sadd.s32 $0x1, s11;
	s22 =	sor.u32 $0x100, s21;
	_ =	swait.ge [sflag:s30], $0x80  }
0x1a: {  	s21 =	simm.s32 $0x1;
	p6 =	por p1, p1;
	[sflag:s30] =	ssyncset.done $0x0  }
0x1b: {  	p1 =	por p3, p3;
	p4 =	por $0x1, $0x1;
	[sflag:s30] =	ssyncadd.s32 $0xFFFFFF80  }
0x1c: {  	s12 =	simm.s32 $0xD;
	s15 =	sand.u32 @!p3 $0x1, s2;
	_ =	strace $0x9000004A  }
0x1d: {  	s13 =	simm.s32 $0x1;
	p3 =	seq.s32 s17, $0xE;
	_ =	strace $0x8000004B  }
0x1e: {  	s13 =	simm.s32 @!p0 $0x0;
	s17 =	simm.s32 @p3 $0x0;
	s19 =	rddreg [dreg:$0x4]  }
0x1f: {  	p0 =	por $0x0, $0x0;
	s14 =	sadd.s32 $0x1, s13;
	s31 =	rddreg [dreg:$0x3]  }
0x20: {  	[tilespmem:s22], [sflag:$0x5] =	stream.indirect.gather [hbm4b:s31+s19], $0x80, s16, s19, $0x2000b8;
	[tilespmem:$0x8100] =	vst v63  }
0x21: {  	p3 =	sne.s32 s11, s17;
	s21 =	simm.s32 @!p0 $0x0;
	_ =	swait.ge [sflag:s8], $0x4000  }
0x22: {  	p5 =	por !p4, !p3;
	p4 =	por $0x0, $0x0;
	[sflag:s8] =	ssyncset.done $0x0  }
0x23: {  	s13 =	simm.s32 $0x0;
	p6 =	por p4, p6;
	[sflag:s8] =	ssyncadd.s32 $0xFFFFC000  }
0x24: {  	s16 =	simm.s32 $0x0;
	s19 =	simm.s32 $0x0;
	_ =	strace $0x9000004B  }
.LBB2_2:
0x25: {  	_ =	strace @p6 $0x8000004C;
	s13 =	sadd.s32 s21, s13;
	s21 =	smov.u32 s12  }
0x26: {  	s12 =	smov.u32 s18;
	s18 =	sadd.s32 $0xFFFFFFFF, s18;
	p0 =	por p3, p3  }
0x27: {  	s28 =	sshll.u32 @p6 s23, $0xB;
	s20 =	sadd.s32 @p6 $0x3, s20;
	s24 =	simm.s32 @!p0 $0x0  }
0x28: {  	s25 =	rddreg [dreg:$0x5];
	s28 =	sand.u32 @p6 $0x1FFFF800, s28;
	s24 =	simm.s32 @p0 $0x1  }
0x29: {  	s25 =	sadd.s32 @p6 s25, s28;
	s28 =	simm.s32 @p6 $0x0;
	p0 =	sne.s32 s18, $0x0  }
0x2a: {  	[hbm4b:s25+s28] =	stream.linear.scatter @p6 [tilespmem:s22], [sflag:s20], $0x4000, $0x200038;
	[tilespmem:$0x8100] =	vst v63  }
0x2b: {  	s20 =	sadd.s32 @!p1 $0x3, s15;
	s15 =	simm.s32 @!p0 $0x0  }
0x2c: {  	s26 =	simm.s32 $0x1;
	[smem:$0x7FC] =	sst s24;
	s15 =	simm.s32 @p0 $0x1  }
0x2d: {  	s26 =	simm.s32 @!p6 $0x0;
	_ =	strace @p6 $0x9000004C;
	[smem:$0x7FD] =	sst s15  }
0x2e: {  	p5 =	por !p5, !p5;
	s19 =	sadd.s32 s26, s19;
	_ =	strace @!p1 $0x8000004D  }
0x2f: {  	s24 =	sand.u32 @!p2 $0x1, s13;
	s22 =	sand.u32 @p5 $0x1, s14;
	_ =	swait.ge @!p1 [sflag:s20], $0x4000  }
0x30: {  	s15 =	smov.u32 s24;
	s24 =	sadd.s32 @p5 s4, s17;
	[sflag:s20] =	ssyncset.done @!p1 $0x0  }
0x31: {  	s25 =	sshll.u32 @p5 s22, $0x7;
	s24 =	sshll.u32 @p5 s24, $0x4;
	[sflag:s20] =	ssyncadd.s32 @!p1 $0xFFFFC000  }
0x32: {  	s20 =	sadd.s32 @p5 $0x1, s22;
	s22 =	sand.u32 @p5 $0x1FFFFFF0, s24;
	_ =	strace @!p1 $0x9000004D  }
0x33: {  	s24 =	simm.s32 @p5 $0x0;
	s22 =	sadd.s32 @p5 s1, s22;
	_ =	strace @p5 $0x80000049  }
0x34: {  	[tilespmem:s25], [sflag:s20] =	stream.linear.gather @p5 [hbm4b:s22+s24], $0x80, $0x200038;
	[tilespmem:$0x8100] =	vst v63  }
0x35: {  	s16 =	sadd.s32 s26, s16;
	s26 =	sand.u32 $0x1, s19;
	_ =	strace @p5 $0x90000049  }
0x36: {  	s24 =	sadd.s32 $0x1, s26;
	_ =	strace $0x8000004A  }
0x37: {  	_ =	swait.ge [sflag:s24], $0x80  }
0x38: {  	[sflag:s24] =	ssyncset.done $0x0  }
0x39: {  	s20 =	simm.s32 $0x1;
	[sflag:s24] =	ssyncadd.s32 $0xFFFFFF80  }
0x3a: {  	s20 =	simm.s32 @!p5 $0x0;
	_ =	strace $0x9000004A  }
0x3b: {  	s14 =	sadd.s32 s20, s14;
	s20 =	sand.u32 $0x1, s16;
	_ =	strace $0x8000004B  }
0x3c: {  	s29 =	sshll.u32 s19, $0x7;
	s25 =	sshll.u32 s20, $0xE;
	s26 =	rddreg [dreg:$0x4]  }
0x3d: {  	s29 =	sand.u32 $0x80, s29;
	s22 =	sor.u32 $0x100, s25;
	s30 =	rddreg [dreg:$0x3]  }
0x3e: {  	[tilespmem:s22], [sflag:$0x5] =	stream.indirect.gather [hbm4b:s30+s26], $0x80, s29, s26, $0x2000b8;
	[tilespmem:$0x8100] =	vst v63  }
0x3f: {  	_ =	swait.ge [sflag:s8], $0x4000  }
0x40: {  	s31 =	sadd.s32 $0x1, s17;
	[sflag:s8] =	ssyncset.done $0x0  }
0x41: {  	s23 =	sadd.s32 s4, s11;
	s11 =	smov.u32 s17;
	[sflag:s8] =	ssyncadd.s32 $0xFFFFC000  }
0x42: {  	p3 =	seq.s32 s31, $0xE;
	s17 =	smov.u32 s31;
	_ =	strace $0x9000004B  }
0x43: {  	s17 =	simm.s32 @p3 $0x0;
	s31 =	sld [smem:$0x7FD]  }
0x44: {  	p6 =	sne.s32 s12, $0x1;
	p0 =	sne.s32 s21, $0xE;
	p3 =	sne.s32 s11, s17  }
0x45: {  	p5 =	por !p6, !p3;
	p6 =	seq.s32 s21, $0x1;
	s21 =	simm.s32 $0x1  }
0x46: {  	s21 =	simm.s32 @!p0 $0x0;
	p0 =	seq.s32 s31, $0x1  }
.Ltmp0:
0x47: {  	s30 =	sld [smem:$0x7FC];
	(pc) =	sbr.rel @p0 .LBB2_2-.Ltmp0, $4  }
0x48: {  	_ = 	snop  }
0x49: {  	p4 =	seq.s32 s12, $0xE  }
0x4a: {  	p1 =	por p2, p2;
	p2 =	por p4, p4;
	p4 =	seq.s32 s30, $0x1  }
0x4b: {  	p6 =	por p6, p4  }
0x4c: {  	_ =	strace @p6 $0x8000004C;
	s23 =	sshll.u32 @p6 s23, $0xB  }
0x4d: {  	s18 =	rddreg [dreg:$0x5];
	s23 =	sand.u32 @p6 $0x1FFFF800, s23  }
0x4e: {  	s20 =	sadd.s32 @p6 $0x3, s20;
	s18 =	sadd.s32 @p6 s18, s23;
	s23 =	simm.s32 @p6 $0x0  }
0x4f: {  	[hbm4b:s18+s23] =	stream.linear.scatter @p6 [tilespmem:s22], [sflag:s20], $0x4000, $0x200038;
	[tilespmem:$0x8100] =	vst v63  }
0x50: {  	p0 =	por !p5, !p5;
	_ =	strace @p6 $0x9000004C  }
0x51: {  	s15 =	sadd.s32 @!p1 $0x3, s15;
	s17 =	sadd.s32 @p0 s4, s17;
	_ =	strace @!p1 $0x8000004D  }
0x52: {  	s14 =	sand.u32 @p0 $0x1, s14;
	s17 =	sshll.u32 @p0 s17, $0x4;
	_ =	swait.ge @!p1 [sflag:s15], $0x4000  }
0x53: {  	s18 =	simm.s32 $0x1;
	s20 =	sshll.u32 @p0 s14, $0x7;
	[sflag:s15] =	ssyncset.done @!p1 $0x0  }
0x54: {  	s14 =	sadd.s32 @p0 $0x1, s14;
	s18 =	simm.s32 @!p6 $0x0;
	[sflag:s15] =	ssyncadd.s32 @!p1 $0xFFFFC000  }
0x55: {  	s19 =	sadd.s32 s18, s19;
	s15 =	sand.u32 @p0 $0x1FFFFFF0, s17;
	_ =	strace @!p1 $0x9000004D  }
0x56: {  	s17 =	simm.s32 @p0 $0x0;
	s15 =	sadd.s32 @p0 s1, s15;
	_ =	strace @p0 $0x80000049  }
0x57: {  	[tilespmem:s20], [sflag:s14] =	stream.linear.gather @p0 [hbm4b:s15+s17], $0x80, $0x200038;
	[tilespmem:$0x8100] =	vst v63  }
0x58: {  	s25 =	sand.u32 $0x1, s19;
	_ =	strace @p0 $0x90000049  }
0x59: {  	s14 =	sadd.s32 $0x1, s25;
	_ =	strace $0x8000004A  }
0x5a: {  	_ =	swait.ge [sflag:s14], $0x80  }
0x5b: {  	[sflag:s14] =	ssyncset.done $0x0  }
0x5c: {  	[sflag:s14] =	ssyncadd.s32 $0xFFFFFF80  }
0x5d: {  	s26 =	sadd.s32 s18, s16;
	_ =	strace $0x9000004A  }
0x5e: {  	s14 =	sand.u32 $0x1, s26;
	_ =	strace $0x8000004B  }
0x5f: {  	s30 =	sshll.u32 s19, $0x7;
	s31 =	sshll.u32 s14, $0xE;
	s28 =	rddreg [dreg:$0x4]  }
0x60: {  	s17 =	sand.u32 $0x80, s30;
	s18 =	sor.u32 $0x100, s31;
	s29 =	rddreg [dreg:$0x3]  }
0x61: {  	[tilespmem:s18], [sflag:$0x5] =	stream.indirect.gather [hbm4b:s29+s28], $0x80, s17, s28, $0x2000b8;
	[tilespmem:$0x8100] =	vst v63  }
0x62: {  	_ =	swait.ge [sflag:s8], $0x4000  }
0x63: {  	[sflag:s8] =	ssyncset.done $0x0  }
0x64: {  	p5 =	por p3, p3;
	p6 =	seq.s32 s12, $0x1;
	[sflag:s8] =	ssyncadd.s32 $0xFFFFC000  }
0x65: {  	s11 =	sadd.s32 s4, s11;
	p0 =	por p6, p5;
	_ =	strace $0x9000004B  }
0x66: {  	s11 =	sshll.u32 @p0 s11, $0xB;
	_ =	strace @p0 $0x8000004C  }
0x67: {  	s13 =	sadd.s32 s21, s13;
	s11 =	sand.u32 @p0 $0x1FFFF800, s11;
	s12 =	rddreg [dreg:$0x5]  }
0x68: {  	s14 =	sadd.s32 @p0 $0x3, s14;
	s11 =	sadd.s32 @p0 s12, s11;
	s12 =	simm.s32 @p0 $0x0  }
0x69: {  	[hbm4b:s11+s12] =	stream.linear.scatter @p0 [tilespmem:s18], [sflag:s14], $0x4000, $0x200038;
	[tilespmem:$0x8100] =	vst v63  }
0x6a: {  	p1 =	por p2, p2;
	s11 =	sand.u32 @!p2 $0x1, s13;
	_ =	strace @p0 $0x9000004C  }
0x6b: {  	s11 =	sadd.s32 @!p1 $0x3, s11;
	_ =	strace @!p1 $0x8000004D  }
0x6c: {  	_ =	swait.ge @!p1 [sflag:s11], $0x4000  }
0x6d: {  	[sflag:s11] =	ssyncset.done @!p1 $0x0  }
0x6e: {  	s10 =	sadd.s32 $0x1, s10;
	[sflag:s11] =	ssyncadd.s32 @!p1 $0xFFFFC000  }
0x6f: {  	p0 =	sne.s32 s10, s6;
	_ =	strace @!p1 $0x9000004D  }
.Ltmp1:
0x70: {  	_ =	strace $0x8000004E;
	(pc) =	sbr.rel @p0 .LBB2_1-.Ltmp1, $4  }
0x71: {  	_ =	swait.ge [sflag:s9], $0x4000  }
0x72: {  	[sflag:s9] =	ssyncset.done $0x0  }
0x73: {  	[sflag:s9] =	ssyncadd.s32 $0xFFFFC000  }
0x74: {  	_ =	strace $0x9000004E  }
0x75: {  	_ =	sfence.sel $0x180000  }
0x76: {  	[bflag:$0x0] =	sbarrier.arrive $0xFFFF  }
0x77: {  	p0 =	sne.s32 s3, $0x0;
	_ =	strace $0x90000047  }
0x78: {  	s0 =	sadd.s32 @!p0 $0x100000, s0;
	[bflag:$0x2] =	sbarrier.arrive $0xFFFF  }
0x79: {  	[sflag:s0] =	ssyncadd.tile.s32 @!p0 $0x1;
	_ =	shalt  }
.Lfunc_end2:
_tile_overlayer_lowered:
.L_overlay_start_2:
0x7a: {  	(tag) =	ssettag $0x2  }
0x7b: {  	s0 =	rddreg [dreg:$0x0];
	s2 =	stileid.u32  }
0x7c: {  	s1 =	rddreg [dreg:$0x1];
	p0 =	sne.s32 s2, $0x0  }
0x7d: {  	s3 =	rddreg [dreg:$0x2];
	[bflag:$0x3] =	sbarrier.arrive $0xFFFF;
	s2 =	simm.s32 @!p0 $0x1C01  }
0x7e: {  	[timem:s3], [sflag:s2] =	dma.local @!p0 [hbm:s0], s1  }
0x7f: {  	s0 =	simm.s32 @!p0 $0x1  }
0x80: {  	_ =	swait.ge @!p0 [sflag:s0], s1  }
0x81: {  	s1 =	ssub.s32 @!p0 $0x0, s1;
	[sflag:s0] =	ssyncset.done @!p0 $0x0  }
0x82: {  	[sflag:s0] =	ssyncadd.s32 @!p0 s1  }
0x83: {  	[bflag:$0x3] =	sbarrier.arrive $0xFFFF  }
0x84: {  	_ =	shalt  }

</sc_bundles>
